<compile_context>
chip_gen: v7x
topology: tpu7x:2x2x1
jax: 0.10.2.dev20260603
libtpu: 0.0.44.dev20260713+nightly
codegen_flags: <defaults>
</compile_context>

<pallas_src>
import jax
import jax.numpy as jnp
from jax import lax
from jax.experimental import pallas as pl
from jax.experimental.pallas import tpu as pltpu
from jax.experimental.pallas import tpu_sc as plsc

_N = 10000
_E = 320000
_D = 128
_G = 128
_ER = _E // _G
_RPT = 78
_NA = _N + 16
_DEGN = 10240
_NBUF = 2
_NIDX = 2 * _NBUF


def _sc_body(feat, src3, dst3, p_out, dg_out,
             sidx, didx, rows, zbuf, zflat, ones,
             acc_sh, deg_sh, isem, gsem, ssem, dsem):
    c = lax.axis_index("c")
    s = lax.axis_index("s")
    w = c * 16 + s
    tb = w * _RPT

    zf = jnp.zeros((16,), jnp.float32)

    scope = jax.named_scope

    _s0 = scope("zero_phase"); _s0.__enter__()

    def _zb(i, _):
        for k in range(_D // 16):
            zbuf[i, pl.ds(k * 16, 16)] = zf
        return 0
    lax.fori_loop(0, 16, _zb, 0)

    def _zfl(i, _):
        zflat[pl.ds(i * 16, 16)] = zf
        return 0
    lax.fori_loop(0, 1280 // 16, _zfl, 0)

    def _zacc(q, _):
        ci = q * 16 + s
        @pl.when(ci < _NA // 16)
        def _():
            off = pl.multiple_of(ci * 16, 16)
            pltpu.sync_copy(zbuf, acc_sh.at[pl.ds(off, 16)])
        return 0
    lax.fori_loop(0, (_NA // 16 + 15) // 16, _zacc, 0)

    @pl.when(s < 8)
    def _():
        pltpu.sync_copy(zflat, deg_sh.at[pl.ds(s * 1280, 1280)])

    for k in range(_G // 16):
        ones[pl.ds(k * 16, 16)] = jnp.full((16,), 1.0, jnp.float32)

    _s0.__exit__(None, None, None)
    with scope("barrier0"):
        plsc.subcore_barrier()

    _s1 = scope("edge_phase"); _s1.__enter__()
    for b0 in range(_NIDX):
        pltpu.async_copy(src3.at[tb + b0], sidx.at[b0], isem.at[b0])
        pltpu.async_copy(dst3.at[tb + b0], didx.at[b0], isem.at[b0])
    for j in range(_NBUF):
        pltpu.make_async_copy(src3.at[tb + j], sidx.at[j], isem.at[j]).wait()
        pltpu.make_async_copy(dst3.at[tb + j], didx.at[j], isem.at[j]).wait()
        pltpu.async_copy(feat.at[sidx.at[j, 0]], rows.at[j], gsem.at[j])

    rpt_w = jnp.where(w == 31, _ER - 31 * _RPT, _RPT)

    def _outer(q, _):
        base = q * _NBUF
        descs = []
        for j in range(_NBUF):
            b = base + j
            islot = lax.rem(b, _NIDX)
            pltpu.make_async_copy(feat.at[sidx.at[islot, 0]],
                                  rows.at[j], gsem.at[j]).wait()
            s1 = pltpu.async_copy(rows.at[j], acc_sh.at[didx.at[islot, 0]],
                                  ssem.at[j], add=True)
            s2 = pltpu.async_copy(ones, deg_sh.at[didx.at[islot, 0]],
                                  dsem.at[j], add=True)
            descs.append((s1, s2))
        for j in range(_NBUF):
            b = base + j
            islot = lax.rem(b, _NIDX)
            s1, s2 = descs[j]
            s1.wait()
            s2.wait()
            @pl.when(b + _NIDX < rpt_w)
            def _():
                pltpu.async_copy(src3.at[tb + b + _NIDX], sidx.at[islot],
                                 isem.at[islot])
                pltpu.async_copy(dst3.at[tb + b + _NIDX], didx.at[islot],
                                 isem.at[islot])
        for j in range(_NBUF):
            b = base + j + _NBUF
            islot = lax.rem(b, _NIDX)
            @pl.when(b < rpt_w)
            def _():
                pltpu.make_async_copy(src3.at[tb + b], sidx.at[islot],
                                      isem.at[islot]).wait()
                pltpu.make_async_copy(dst3.at[tb + b], didx.at[islot],
                                      isem.at[islot]).wait()
                pltpu.async_copy(feat.at[sidx.at[islot, 0]],
                                 rows.at[j], gsem.at[j])
        return 0
    lax.fori_loop(0, rpt_w // _NBUF, _outer, 0)

    _s1.__exit__(None, None, None)
    with scope("barrier1"):
        plsc.subcore_barrier()

    _s2 = scope("dump_phase"); _s2.__enter__()
    @pl.when(s < 15)
    def _():
        off = pl.multiple_of(s * 624, 8)
        pltpu.sync_copy(acc_sh.at[pl.ds(off, 624)],
                        p_out.at[pl.ds(c * _N + off, 624)])

    @pl.when(s == 15)
    def _():
        pltpu.sync_copy(acc_sh.at[pl.ds(9360, 640)],
                        p_out.at[pl.ds(c * _N + 9360, 640)])

    @pl.when(s < 7)
    def _():
        pltpu.sync_copy(deg_sh.at[pl.ds(s * 1280, 1280)], zflat)
        pltpu.sync_copy(zflat, dg_out.at[pl.ds(c * _N + s * 1280, 1280)])

    @pl.when(s == 7)
    def _():
        pltpu.sync_copy(deg_sh.at[pl.ds(8960, 1040)],
                        zflat.at[pl.ds(0, 1040)])
        pltpu.sync_copy(zflat.at[pl.ds(0, 1040)],
                        dg_out.at[pl.ds(c * _N + 8960, 1040)])

    _s2.__exit__(None, None, None)


def _sc_part(feat, src3, dst3):
    mesh = plsc.VectorSubcoreMesh(core_axis_name="c", subcore_axis_name="s")
    fn = pl.kernel(
        _sc_body,
        out_type=(jax.ShapeDtypeStruct((2 * _N, _D), jnp.float32),
                  jax.ShapeDtypeStruct((2 * _N,), jnp.float32)),
        mesh=mesh,
        scratch_types=[
            pltpu.VMEM((_NIDX, 1, _G), jnp.int32),
            pltpu.VMEM((_NIDX, 1, _G), jnp.int32),
            pltpu.VMEM((_NBUF, _G, _D), jnp.float32),
            pltpu.VMEM((16, _D), jnp.float32),
            pltpu.VMEM((1280,), jnp.float32),
            pltpu.VMEM((_G,), jnp.float32),
            pltpu.VMEM_SHARED((_NA, _D), jnp.float32),
            pltpu.VMEM_SHARED((_DEGN,), jnp.float32),
            pltpu.SemaphoreType.DMA((_NIDX,)),
            pltpu.SemaphoreType.DMA((_NBUF,)),
            pltpu.SemaphoreType.DMA((_NBUF,)),
            pltpu.SemaphoreType.DMA((_NBUF,)),
        ],
    )
    return fn(feat, src3, dst3)


def _tc_combine_body(p0_ref, p1_ref, d0_ref, d1_ref, f_ref, o_ref):
    d = d0_ref[...] + d1_ref[...]
    o_ref[...] = p0_ref[...] + p1_ref[...] + d * f_ref[...]


def _tc_combine(p2, dg2, feat):
    blk = 400
    nb = _N // blk
    dg2 = dg2.reshape(2 * _N, 1)
    return pl.pallas_call(
        _tc_combine_body,
        out_shape=jax.ShapeDtypeStruct((_N, _D), jnp.float32),
        grid=(nb,),
        in_specs=[
            pl.BlockSpec((blk, _D), lambda i: (i, 0)),
            pl.BlockSpec((blk, _D), lambda i: (i + nb, 0)),
            pl.BlockSpec((blk, 1), lambda i: (i, 0)),
            pl.BlockSpec((blk, 1), lambda i: (i + nb, 0)),
            pl.BlockSpec((blk, _D), lambda i: (i, 0)),
        ],
        out_specs=pl.BlockSpec((blk, _D), lambda i: (i, 0)),
    )(p2, p2, dg2, dg2, feat)


def kernel(node_feat, edge_index):
    src3 = edge_index[0].reshape(_ER, 1, _G)
    dst3 = edge_index[1].reshape(_ER, 1, _G)
    p2, dg2 = _sc_part(node_feat, src3, dst3)
    return _tc_combine(p2, dg2, node_feat)

# --- scband reference (transcript-rebuilt; emitter-appended) ---
"""Pipeline reference for scband-sirconv-30434138259922 (READ-ONLY COPY).

The authoritative reference and input builder live on the scoring server;
editing this copy changes nothing except your own understanding.
"""

import jax, jax.numpy as jnp
import numpy as np

N = 10000
E = 320000
D = 128


def setup_inputs(seed: int = 0) -> dict:
    key = jax.random.key(seed)
    k1, k2 = jax.random.split(key)
    node_feat = jax.random.normal(k1, (N, D), dtype=jnp.float32)
    edge_index = jax.random.randint(k2, (2, E), 0, N, dtype=jnp.int32)
    return {"node_feat": node_feat, "edge_index": edge_index}


def reference(node_feat, edge_index):
    # SIRConv with all mods = Identity, agg_type='sum':
    #   m_e = eq[dst_e] + ek[src_e]   (norm == 1 for non-'sym' agg)
    #   rst[u] = sum_{e: dst_e == u} m_e
    src = edge_index[0]
    dst = edge_index[1]
    eq = node_feat  # mod_query = Identity
    ek = node_feat  # mod_key = Identity
    m = eq[dst] + ek[src]  # mod_rel = Identity, gather per edge
    rst = jax.ops.segment_sum(m, dst, num_segments=N)  # scatter-add by dst
    return rst  # mod_comb = Identity, no residual

if __name__ == "__main__":
    import jax
    _d = setup_inputs()
    print(jax.jit(kernel)(*tuple(_d.values())))

</pallas_src>

<mosaic_0001>
#map = affine_map<(d0, d1) -> (0, 0)>
#map1 = affine_map<(d0, d1) -> (0, 0, 0)>
#map2 = affine_map<(d0, d1) -> (0)>
module attributes {stable_mosaic.version = 14 : i64} {
  func.func @_sc_body(%arg0: i32, %arg1: i32, %arg2: memref<10000x128xf32, #tpu.memory_space<hbm>>, %arg3: memref<2500x1x128xi32, #tpu.memory_space<hbm>>, %arg4: memref<2500x1x128xi32, #tpu.memory_space<hbm>>, %arg5: memref<20000x128xf32, #tpu.memory_space<hbm>>, %arg6: memref<20000xf32, #tpu.memory_space<hbm>>, %arg7: memref<4x1x128xi32, #tpu.memory_space<vmem>>, %arg8: memref<4x1x128xi32, #tpu.memory_space<vmem>>, %arg9: memref<2x128x128xf32, #tpu.memory_space<vmem>>, %arg10: memref<16x128xf32, #tpu.memory_space<vmem>>, %arg11: memref<1280xf32, #tpu.memory_space<vmem>>, %arg12: memref<128xf32, #tpu.memory_space<vmem>>, %arg13: memref<10016x128xf32, #tpu.memory_space<vmem_shared>>, %arg14: memref<10240xf32, #tpu.memory_space<vmem_shared>>, %arg15: memref<4x!tpu.dma_semaphore, #tpu.memory_space<semaphore_mem>>, %arg16: memref<2x!tpu.dma_semaphore, #tpu.memory_space<semaphore_mem>>, %arg17: memref<2x!tpu.dma_semaphore, #tpu.memory_space<semaphore_mem>>, %arg18: memref<2x!tpu.dma_semaphore, #tpu.memory_space<semaphore_mem>>) attributes {dimension_semantics = [#tpu.dimension_semantics<core_parallel>, #tpu.dimension_semantics<subcore_parallel>], iteration_bounds = array<i64: 2, 16>, scalar_prefetch = 0 : i64, scratch_operands = 12 : i64, tpu.core_type = #tpu.core_type<sc_vector_subcore>, window_params = [{transform_indices = #map}, {transform_indices = #map1}, {transform_indices = #map1}, {transform_indices = #map}, {transform_indices = #map2}]} {
    %mul3A = arith.constant 16 : i32
    %mul3A_0 = arith.muli %arg0, %mul3A : i32
    %add3A = arith.addi %mul3A_0, %arg1 : i32
    %mul3A_1 = arith.constant 78 : i32
    %mul3A_2 = arith.muli %add3A, %mul3A_1 : i32
    %broadcast_in_dim3A = arith.constant 0.000000e+00 : f32
    %broadcast_in_dim3A_3 = vector.broadcast %broadcast_in_dim3A : f32 to vector<16xf32>
    "tpu.trace_start"() <{level = 10 : i32, message = "zero_phase"}> : () -> ()
    %scan3A = arith.constant 0 : i32
    %scan3A_4 = arith.constant 0 : i32
    %scan3A_5 = arith.constant 16 : i32
    %scan3A_6 = arith.addi %scan3A_4, %scan3A_5 : i32
    %scan3A_7 = arith.constant 1 : i32
    %scan3A_8 = scf.for %scan3A_419 = %scan3A_4 to %scan3A_6 step %scan3A_7 iter_args(%scan3A_420 = %scan3A) -> (i32)  : i32 {
      %swap3A_421 = arith.index_cast %scan3A_419 : i32 to index
      %swap3A_422 = arith.constant 0 : index
      %swap3A_423 = tpu.vector_load %arg10[%swap3A_421, %swap3A_422] {strides = array<i32>} : memref<16x128xf32, #tpu.memory_space<vmem>>, vector<1x16xf32>,
      %swap3A_424 = vector.shape_cast %swap3A_423 : vector<1x16xf32> to vector<16xf32>
      %swap3A_425 = vector.shape_cast %broadcast_in_dim3A_3 : vector<16xf32> to vector<1x16xf32>
      tpu.vector_store %arg10[%swap3A_421, %swap3A_422], %swap3A_425 {strides = array<i32>} : memref<16x128xf32, #tpu.memory_space<vmem>>, vector<1x16xf32>,
      %swap3A_426 = arith.index_cast %scan3A_419 : i32 to index
      %swap3A_427 = arith.constant 16 : index
      %swap3A_428 = tpu.vector_load %arg10[%swap3A_426, %swap3A_427] {strides = array<i32>} : memref<16x128xf32, #tpu.memory_space<vmem>>, vector<1x16xf32>,
      %swap3A_429 = vector.shape_cast %swap3A_428 : vector<1x16xf32> to vector<16xf32>
      %swap3A_430 = vector.shape_cast %broadcast_in_dim3A_3 : vector<16xf32> to vector<1x16xf32>
      tpu.vector_store %arg10[%swap3A_426, %swap3A_427], %swap3A_430 {strides = array<i32>} : memref<16x128xf32, #tpu.memory_space<vmem>>, vector<1x16xf32>,
      %swap3A_431 = arith.index_cast %scan3A_419 : i32 to index
      %swap3A_432 = arith.constant 32 : index
      %swap3A_433 = tpu.vector_load %arg10[%swap3A_431, %swap3A_432] {strides = array<i32>} : memref<16x128xf32, #tpu.memory_space<vmem>>, vector<1x16xf32>,
      %swap3A_434 = vector.shape_cast %swap3A_433 : vector<1x16xf32> to vector<16xf32>
      %swap3A_435 = vector.shape_cast %broadcast_in_dim3A_3 : vector<16xf32> to vector<1x16xf32>
      tpu.vector_store %arg10[%swap3A_431, %swap3A_432], %swap3A_435 {strides = array<i32>} : memref<16x128xf32, #tpu.memory_space<vmem>>, vector<1x16xf32>,
      %swap3A_436 = arith.index_cast %scan3A_419 : i32 to index
      %swap3A_437 = arith.constant 48 : index
      %swap3A_438 = tpu.vector_load %arg10[%swap3A_436, %swap3A_437] {strides = array<i32>} : memref<16x128xf32, #tpu.memory_space<vmem>>, vector<1x16xf32>,
      %swap3A_439 = vector.shape_cast %swap3A_438 : vector<1x16xf32> to vector<16xf32>
      %swap3A_440 = vector.shape_cast %broadcast_in_dim3A_3 : vector<16xf32> to vector<1x16xf32>
      tpu.vector_store %arg10[%swap3A_436, %swap3A_437], %swap3A_440 {strides = array<i32>} : memref<16x128xf32, #tpu.memory_space<vmem>>, vector<1x16xf32>,
      %swap3A_441 = arith.index_cast %scan3A_419 : i32 to index
      %swap3A_442 = arith.constant 64 : index
      %swap3A_443 = tpu.vector_load %arg10[%swap3A_441, %swap3A_442] {strides = array<i32>} : memref<16x128xf32, #tpu.memory_space<vmem>>, vector<1x16xf32>,
      %swap3A_444 = vector.shape_cast %swap3A_443 : vector<1x16xf32> to vector<16xf32>
      %swap3A_445 = vector.shape_cast %broadcast_in_dim3A_3 : vector<16xf32> to vector<1x16xf32>
      tpu.vector_store %arg10[%swap3A_441, %swap3A_442], %swap3A_445 {strides = array<i32>} : memref<16x128xf32, #tpu.memory_space<vmem>>, vector<1x16xf32>,
      %swap3A_446 = arith.index_cast %scan3A_419 : i32 to index
      %swap3A_447 = arith.constant 80 : index
      %swap3A_448 = tpu.vector_load %arg10[%swap3A_446, %swap3A_447] {strides = array<i32>} : memref<16x128xf32, #tpu.memory_space<vmem>>, vector<1x16xf32>,
      %swap3A_449 = vector.shape_cast %swap3A_448 : vector<1x16xf32> to vector<16xf32>
      %swap3A_450 = vector.shape_cast %broadcast_in_dim3A_3 : vector<16xf32> to vector<1x16xf32>
      tpu.vector_store %arg10[%swap3A_446, %swap3A_447], %swap3A_450 {strides = array<i32>} : memref<16x128xf32, #tpu.memory_space<vmem>>, vector<1x16xf32>,
      %swap3A_451 = arith.index_cast %scan3A_419 : i32 to index
      %swap3A_452 = arith.constant 96 : index
      %swap3A_453 = tpu.vector_load %arg10[%swap3A_451, %swap3A_452] {strides = array<i32>} : memref<16x128xf32, #tpu.memory_space<vmem>>, vector<1x16xf32>,
      %swap3A_454 = vector.shape_cast %swap3A_453 : vector<1x16xf32> to vector<16xf32>
      %swap3A_455 = vector.shape_cast %broadcast_in_dim3A_3 : vector<16xf32> to vector<1x16xf32>
      tpu.vector_store %arg10[%swap3A_451, %swap3A_452], %swap3A_455 {strides = array<i32>} : memref<16x128xf32, #tpu.memory_space<vmem>>, vector<1x16xf32>,
      %swap3A_456 = arith.index_cast %scan3A_419 : i32 to index
      %swap3A_457 = arith.constant 112 : index
      %swap3A_458 = tpu.vector_load %arg10[%swap3A_456, %swap3A_457] {strides = array<i32>} : memref<16x128xf32, #tpu.memory_space<vmem>>, vector<1x16xf32>,
      %swap3A_459 = vector.shape_cast %swap3A_458 : vector<1x16xf32> to vector<16xf32>
      %swap3A_460 = vector.shape_cast %broadcast_in_dim3A_3 : vector<16xf32> to vector<1x16xf32>
      tpu.vector_store %arg10[%swap3A_456, %swap3A_457], %swap3A_460 {strides = array<i32>} : memref<16x128xf32, #tpu.memory_space<vmem>>, vector<1x16xf32>,
      %scan3A_461 = arith.constant 0 : i32
      scf.yield %scan3A_461 : i32
    }
    %scan3A_9 = arith.constant 16 : i32
    %scan3A_10 = arith.constant 0 : i32
    %scan3A_11 = arith.constant 0 : i32
    %scan3A_12 = arith.constant 80 : i32
    %scan3A_13 = arith.addi %scan3A_11, %scan3A_12 : i32
    %scan3A_14 = arith.constant 1 : i32
    %scan3A_15 = scf.for %scan3A_419 = %scan3A_11 to %scan3A_13 step %scan3A_14 iter_args(%scan3A_420 = %scan3A_10) -> (i32)  : i32 {
      %mul3A_421 = arith.constant 16 : i32
      %mul3A_422 = arith.muli %scan3A_419, %mul3A_421 : i32
      %swap3A_423 = arith.index_cast %mul3A_422 : i32 to index
      %swap3A_424 = tpu.vector_load %arg11[%swap3A_423] {strides = array<i32>} : memref<1280xf32, #tpu.memory_space<vmem>>, vector<16xf32>,
      %swap3A_425 = vector.shape_cast %swap3A_424 : vector<16xf32> to vector<16xf32>
      %swap3A_426 = vector.shape_cast %broadcast_in_dim3A_3 : vector<16xf32> to vector<16xf32>
      tpu.vector_store %arg11[%swap3A_423], %swap3A_426 {strides = array<i32>} : memref<1280xf32, #tpu.memory_space<vmem>>, vector<16xf32>,
      %scan3A_427 = arith.constant 0 : i32
      scf.yield %scan3A_427 : i32
    }
    %scan3A_16 = arith.constant 80 : i32
    %scan3A_17 = arith.constant 0 : i32
    %scan3A_18 = arith.constant 0 : i32
    %scan3A_19 = arith.constant 40 : i32
    %scan3A_20 = arith.addi %scan3A_18, %scan3A_19 : i32
    %scan3A_21 = arith.constant 1 : i32
    %scan3A_22 = scf.for %scan3A_419 = %scan3A_18 to %scan3A_20 step %scan3A_21 iter_args(%scan3A_420 = %scan3A_17) -> (i32)  : i32 {
      %mul3A_421 = arith.constant 16 : i32
      %mul3A_422 = arith.muli %scan3A_419, %mul3A_421 : i32
      %add3A_423 = arith.addi %mul3A_422, %arg1 : i32
      %lt3A_424 = arith.constant 626 : i32
      %lt3A_425 = arith.cmpi slt, %add3A_423, %lt3A_424 : i32
      %convert_element_type3A_426 = arith.extui %lt3A_425 : i1 to i32
      %cond3A_427 = arith.constant 0 : i32
      %cond3A_428 = arith.cmpi ne, %convert_element_type3A_426, %cond3A_427 : i32
      scf.if %cond3A_428 {
        %mul3A_430 = arith.constant 16 : i32
        %mul3A_431 = arith.muli %add3A_423, %mul3A_430 : i32
        %multiple_of3A = tpu.assume_multiple %mul3A_431, 16 : i32
        "tpu.region"() ({
          %run_scoped3A = tpu.sem_alloc : memref<!tpu.dma_semaphore, #tpu.memory_space<semaphore_mem>>
          %dma_start3A_432 = arith.constant 0 : i32
          %dma_start3A_433 = tpu.memref_slice %arg13[%multiple_of3A, %dma_start3A_432] : memref<10016x128xf32, #tpu.memory_space<vmem_shared>> -> memref<16x128xf32, #tpu.memory_space<vmem_shared>>
          %dma_start3A_434 = arith.constant 0 : i32
          %dma_start3A_435 = tpu.memref_slice %arg13[%multiple_of3A, %dma_start3A_434] : memref<10016x128xf32, #tpu.memory_space<vmem_shared>> -> memref<16x128xf32, #tpu.memory_space<vmem_shared>>
          tpu.enqueue_dma source(%arg10 : memref<16x128xf32, #tpu.memory_space<vmem>>) target(%dma_start3A_435 : memref<16x128xf32, #tpu.memory_space<vmem_shared>>) target_semaphore(%run_scoped3A : memref<!tpu.dma_semaphore, #tpu.memory_space<semaphore_mem>>)
          %dma_wait3A_436 = arith.constant 0 : i32
          %dma_wait3A_437 = tpu.memref_slice %arg13[%multiple_of3A, %dma_wait3A_436] : memref<10016x128xf32, #tpu.memory_space<vmem_shared>> -> memref<16x128xf32, #tpu.memory_space<vmem_shared>>
          %dma_wait3A_438 = arith.constant 0 : i32
          %dma_wait3A_439 = tpu.memref_slice %arg13[%multiple_of3A, %dma_wait3A_438] : memref<10016x128xf32, #tpu.memory_space<vmem_shared>> -> memref<16x128xf32, #tpu.memory_space<vmem_shared>>
          tpu.wait_dma2 semaphore(%run_scoped3A : memref<!tpu.dma_semaphore, #tpu.memory_space<semaphore_mem>>) src(%arg10 : memref<16x128xf32, #tpu.memory_space<vmem>>) dst(%dma_wait3A_439 : memref<16x128xf32, #tpu.memory_space<vmem_shared>>)
          tpu.yield
        }) : () -> ()
      } else {
      }
      %scan3A_429 = arith.constant 0 : i32
      scf.yield %scan3A_429 : i32
    }
    %scan3A_23 = arith.constant 40 : i32
    %lt3A = arith.constant 8 : i32
    %lt3A_24 = arith.cmpi slt, %arg1, %lt3A : i32
    %convert_element_type3A = arith.extui %lt3A_24 : i1 to i32
    %cond3A = arith.constant 0 : i32
    %cond3A_25 = arith.cmpi ne, %convert_element_type3A, %cond3A : i32
    scf.if %cond3A_25 {
      %mul3A_419 = arith.constant 1280 : i32
      %mul3A_420 = arith.muli %arg1, %mul3A_419 : i32
      "tpu.region"() ({
        %run_scoped3A = tpu.sem_alloc : memref<!tpu.dma_semaphore, #tpu.memory_space<semaphore_mem>>
        %dma_start3A_421 = tpu.memref_slice %arg14[%mul3A_420] : memref<10240xf32, #tpu.memory_space<vmem_shared>> -> memref<1280xf32, #tpu.memory_space<vmem_shared>>
        %dma_start3A_422 = tpu.memref_slice %arg14[%mul3A_420] : memref<10240xf32, #tpu.memory_space<vmem_shared>> -> memref<1280xf32, #tpu.memory_space<vmem_shared>>
        tpu.enqueue_dma source(%arg11 : memref<1280xf32, #tpu.memory_space<vmem>>) target(%dma_start3A_422 : memref<1280xf32, #tpu.memory_space<vmem_shared>>) target_semaphore(%run_scoped3A : memref<!tpu.dma_semaphore, #tpu.memory_space<semaphore_mem>>)
        %dma_wait3A_423 = tpu.memref_slice %arg14[%mul3A_420] : memref<10240xf32, #tpu.memory_space<vmem_shared>> -> memref<1280xf32, #tpu.memory_space<vmem_shared>>
        %dma_wait3A_424 = tpu.memref_slice %arg14[%mul3A_420] : memref<10240xf32, #tpu.memory_space<vmem_shared>> -> memref<1280xf32, #tpu.memory_space<vmem_shared>>
        tpu.wait_dma2 semaphore(%run_scoped3A : memref<!tpu.dma_semaphore, #tpu.memory_space<semaphore_mem>>) src(%arg11 : memref<1280xf32, #tpu.memory_space<vmem>>) dst(%dma_wait3A_424 : memref<1280xf32, #tpu.memory_space<vmem_shared>>)
        tpu.yield
      }) : () -> ()
    } else {
    }
    %broadcast_in_dim3A_26 = arith.constant 1.000000e+00 : f32
    %broadcast_in_dim3A_27 = vector.broadcast %broadcast_in_dim3A_26 : f32 to vector<16xf32>
    %swap3A = arith.constant 0 : index
    %swap3A_28 = tpu.vector_load %arg12[%swap3A] {strides = array<i32>} : memref<128xf32, #tpu.memory_space<vmem>>, vector<16xf32>,
    %swap3A_29 = vector.shape_cast %swap3A_28 : vector<16xf32> to vector<16xf32>
    %swap3A_30 = vector.shape_cast %broadcast_in_dim3A_27 : vector<16xf32> to vector<16xf32>
    tpu.vector_store %arg12[%swap3A], %swap3A_30 {strides = array<i32>} : memref<128xf32, #tpu.memory_space<vmem>>, vector<16xf32>,
    %broadcast_in_dim3A_31 = arith.constant 1.000000e+00 : f32
    %broadcast_in_dim3A_32 = vector.broadcast %broadcast_in_dim3A_31 : f32 to vector<16xf32>
    %swap3A_33 = arith.constant 16 : index
    %swap3A_34 = tpu.vector_load %arg12[%swap3A_33] {strides = array<i32>} : memref<128xf32, #tpu.memory_space<vmem>>, vector<16xf32>,
    %swap3A_35 = vector.shape_cast %swap3A_34 : vector<16xf32> to vector<16xf32>
    %swap3A_36 = vector.shape_cast %broadcast_in_dim3A_32 : vector<16xf32> to vector<16xf32>
    tpu.vector_store %arg12[%swap3A_33], %swap3A_36 {strides = array<i32>} : memref<128xf32, #tpu.memory_space<vmem>>, vector<16xf32>,
    %broadcast_in_dim3A_37 = arith.constant 1.000000e+00 : f32
    %broadcast_in_dim3A_38 = vector.broadcast %broadcast_in_dim3A_37 : f32 to vector<16xf32>
    %swap3A_39 = arith.constant 32 : index
    %swap3A_40 = tpu.vector_load %arg12[%swap3A_39] {strides = array<i32>} : memref<128xf32, #tpu.memory_space<vmem>>, vector<16xf32>,
    %swap3A_41 = vector.shape_cast %swap3A_40 : vector<16xf32> to vector<16xf32>
    %swap3A_42 = vector.shape_cast %broadcast_in_dim3A_38 : vector<16xf32> to vector<16xf32>
    tpu.vector_store %arg12[%swap3A_39], %swap3A_42 {strides = array<i32>} : memref<128xf32, #tpu.memory_space<vmem>>, vector<16xf32>,
    %broadcast_in_dim3A_43 = arith.constant 1.000000e+00 : f32
    %broadcast_in_dim3A_44 = vector.broadcast %broadcast_in_dim3A_43 : f32 to vector<16xf32>
    %swap3A_45 = arith.constant 48 : index
    %swap3A_46 = tpu.vector_load %arg12[%swap3A_45] {strides = array<i32>} : memref<128xf32, #tpu.memory_space<vmem>>, vector<16xf32>,
    %swap3A_47 = vector.shape_cast %swap3A_46 : vector<16xf32> to vector<16xf32>
    %swap3A_48 = vector.shape_cast %broadcast_in_dim3A_44 : vector<16xf32> to vector<16xf32>
    tpu.vector_store %arg12[%swap3A_45], %swap3A_48 {strides = array<i32>} : memref<128xf32, #tpu.memory_space<vmem>>, vector<16xf32>,
    %broadcast_in_dim3A_49 = arith.constant 1.000000e+00 : f32
    %broadcast_in_dim3A_50 = vector.broadcast %broadcast_in_dim3A_49 : f32 to vector<16xf32>
    %swap3A_51 = arith.constant 64 : index
    %swap3A_52 = tpu.vector_load %arg12[%swap3A_51] {strides = array<i32>} : memref<128xf32, #tpu.memory_space<vmem>>, vector<16xf32>,
    %swap3A_53 = vector.shape_cast %swap3A_52 : vector<16xf32> to vector<16xf32>
    %swap3A_54 = vector.shape_cast %broadcast_in_dim3A_50 : vector<16xf32> to vector<16xf32>
    tpu.vector_store %arg12[%swap3A_51], %swap3A_54 {strides = array<i32>} : memref<128xf32, #tpu.memory_space<vmem>>, vector<16xf32>,
    %broadcast_in_dim3A_55 = arith.constant 1.000000e+00 : f32
    %broadcast_in_dim3A_56 = vector.broadcast %broadcast_in_dim3A_55 : f32 to vector<16xf32>
    %swap3A_57 = arith.constant 80 : index
    %swap3A_58 = tpu.vector_load %arg12[%swap3A_57] {strides = array<i32>} : memref<128xf32, #tpu.memory_space<vmem>>, vector<16xf32>,
    %swap3A_59 = vector.shape_cast %swap3A_58 : vector<16xf32> to vector<16xf32>
    %swap3A_60 = vector.shape_cast %broadcast_in_dim3A_56 : vector<16xf32> to vector<16xf32>
    tpu.vector_store %arg12[%swap3A_57], %swap3A_60 {strides = array<i32>} : memref<128xf32, #tpu.memory_space<vmem>>, vector<16xf32>,
    %broadcast_in_dim3A_61 = arith.constant 1.000000e+00 : f32
    %broadcast_in_dim3A_62 = vector.broadcast %broadcast_in_dim3A_61 : f32 to vector<16xf32>
    %swap3A_63 = arith.constant 96 : index
    %swap3A_64 = tpu.vector_load %arg12[%swap3A_63] {strides = array<i32>} : memref<128xf32, #tpu.memory_space<vmem>>, vector<16xf32>,
    %swap3A_65 = vector.shape_cast %swap3A_64 : vector<16xf32> to vector<16xf32>
    %swap3A_66 = vector.shape_cast %broadcast_in_dim3A_62 : vector<16xf32> to vector<16xf32>
    tpu.vector_store %arg12[%swap3A_63], %swap3A_66 {strides = array<i32>} : memref<128xf32, #tpu.memory_space<vmem>>, vector<16xf32>,
    %broadcast_in_dim3A_67 = arith.constant 1.000000e+00 : f32
    %broadcast_in_dim3A_68 = vector.broadcast %broadcast_in_dim3A_67 : f32 to vector<16xf32>
    %swap3A_69 = arith.constant 112 : index
    %swap3A_70 = tpu.vector_load %arg12[%swap3A_69] {strides = array<i32>} : memref<128xf32, #tpu.memory_space<vmem>>, vector<16xf32>,
    %swap3A_71 = vector.shape_cast %swap3A_70 : vector<16xf32> to vector<16xf32>
    %swap3A_72 = vector.shape_cast %broadcast_in_dim3A_68 : vector<16xf32> to vector<16xf32>
    tpu.vector_store %arg12[%swap3A_69], %swap3A_72 {strides = array<i32>} : memref<128xf32, #tpu.memory_space<vmem>>, vector<16xf32>,
    "tpu.trace_stop"() : () -> ()
    "tpu.trace_start"() <{level = 10 : i32, message = "barrier0"}> : () -> ()
    %barrier3A = arith.constant 0 : index
    tpu.barrier barrier_id(%barrier3A)
    "tpu.trace_stop"() : () -> ()
    "tpu.trace_start"() <{level = 10 : i32, message = "edge_phase"}> : () -> ()
    %add3A_73 = arith.constant 0 : i32
    %add3A_74 = arith.addi %mul3A_2, %add3A_73 : i32
    %dma_start3A = arith.constant 0 : i32
    %dma_start3A_75 = arith.constant 0 : i32
    %dma_start3A_76 = arith.constant 0 : i32
    %dma_start3A_77 = arith.constant 0 : i32
    %dma_start3A_78 = tpu.memref_slice %arg7[%dma_start3A, %dma_start3A_76, %dma_start3A_77] : memref<4x1x128xi32, #tpu.memory_space<vmem>> -> memref<1x1x128xi32, #tpu.memory_space<vmem>>
    %dma_start3A_79 = tpu.memref_squeeze %dma_start3A_78 : memref<1x1x128xi32, #tpu.memory_space<vmem>> -> memref<1x128xi32, #tpu.memory_space<vmem>>
    %dma_start3A_80 = arith.constant 0 : i32
    %dma_start3A_81 = arith.constant 0 : i32
    %dma_start3A_82 = tpu.memref_slice %arg3[%add3A_74, %dma_start3A_80, %dma_start3A_81] : memref<2500x1x128xi32, #tpu.memory_space<hbm>> -> memref<1x1x128xi32, #tpu.memory_space<hbm>>
    %dma_start3A_83 = tpu.memref_squeeze %dma_start3A_82 : memref<1x1x128xi32, #tpu.memory_space<hbm>> -> memref<1x128xi32, #tpu.memory_space<hbm>>
    %dma_start3A_84 = tpu.memref_slice %arg15[%dma_start3A_75] : memref<4x!tpu.dma_semaphore, #tpu.memory_space<semaphore_mem>> -> memref<1x!tpu.dma_semaphore, #tpu.memory_space<semaphore_mem>>
    %dma_start3A_85 = tpu.memref_squeeze %dma_start3A_84 : memref<1x!tpu.dma_semaphore, #tpu.memory_space<semaphore_mem>> -> memref<!tpu.dma_semaphore, #tpu.memory_space<semaphore_mem>>
    %dma_start3A_86 = arith.constant 0 : i32
    %dma_start3A_87 = arith.constant 0 : i32
    %dma_start3A_88 = tpu.memref_slice %arg7[%dma_start3A, %dma_start3A_86, %dma_start3A_87] : memref<4x1x128xi32, #tpu.memory_space<vmem>> -> memref<1x1x128xi32, #tpu.memory_space<vmem>>
    %dma_start3A_89 = tpu.memref_squeeze %dma_start3A_88 : memref<1x1x128xi32, #tpu.memory_space<vmem>> -> memref<1x128xi32, #tpu.memory_space<vmem>>
    %dma_start3A_90 = arith.constant 0 : i32
    %dma_start3A_91 = arith.constant 0 : i32
    %dma_start3A_92 = tpu.memref_slice %arg3[%add3A_74, %dma_start3A_90, %dma_start3A_91] : memref<2500x1x128xi32, #tpu.memory_space<hbm>> -> memref<1x1x128xi32, #tpu.memory_space<hbm>>
    %dma_start3A_93 = tpu.memref_squeeze %dma_start3A_92 : memref<1x1x128xi32, #tpu.memory_space<hbm>> -> memref<1x128xi32, #tpu.memory_space<hbm>>
    tpu.enqueue_dma source(%dma_start3A_93 : memref<1x128xi32, #tpu.memory_space<hbm>>) target(%dma_start3A_89 : memref<1x128xi32, #tpu.memory_space<vmem>>) target_semaphore(%dma_start3A_85 : memref<!tpu.dma_semaphore, #tpu.memory_space<semaphore_mem>>)
    %add3A_94 = arith.constant 0 : i32
    %add3A_95 = arith.addi %mul3A_2, %add3A_94 : i32
    %dma_start3A_96 = arith.constant 0 : i32
    %dma_start3A_97 = arith.constant 0 : i32
    %dma_start3A_98 = arith.constant 0 : i32
    %dma_start3A_99 = arith.constant 0 : i32
    %dma_start3A_100 = tpu.memref_slice %arg8[%dma_start3A_96, %dma_start3A_98, %dma_start3A_99] : memref<4x1x128xi32, #tpu.memory_space<vmem>> -> memref<1x1x128xi32, #tpu.memory_space<vmem>>
    %dma_start3A_101 = tpu.memref_squeeze %dma_start3A_100 : memref<1x1x128xi32, #tpu.memory_space<vmem>> -> memref<1x128xi32, #tpu.memory_space<vmem>>
    %dma_start3A_102 = arith.constant 0 : i32
    %dma_start3A_103 = arith.constant 0 : i32
    %dma_start3A_104 = tpu.memref_slice %arg4[%add3A_95, %dma_start3A_102, %dma_start3A_103] : memref<2500x1x128xi32, #tpu.memory_space<hbm>> -> memref<1x1x128xi32, #tpu.memory_space<hbm>>
    %dma_start3A_105 = tpu.memref_squeeze %dma_start3A_104 : memref<1x1x128xi32, #tpu.memory_space<hbm>> -> memref<1x128xi32, #tpu.memory_space<hbm>>
    %dma_start3A_106 = tpu.memref_slice %arg15[%dma_start3A_97] : memref<4x!tpu.dma_semaphore, #tpu.memory_space<semaphore_mem>> -> memref<1x!tpu.dma_semaphore, #tpu.memory_space<semaphore_mem>>
    %dma_start3A_107 = tpu.memref_squeeze %dma_start3A_106 : memref<1x!tpu.dma_semaphore, #tpu.memory_space<semaphore_mem>> -> memref<!tpu.dma_semaphore, #tpu.memory_space<semaphore_mem>>
    %dma_start3A_108 = arith.constant 0 : i32
    %dma_start3A_109 = arith.constant 0 : i32
    %dma_start3A_110 = tpu.memref_slice %arg8[%dma_start3A_96, %dma_start3A_108, %dma_start3A_109] : memref<4x1x128xi32, #tpu.memory_space<vmem>> -> memref<1x1x128xi32, #tpu.memory_space<vmem>>
    %dma_start3A_111 = tpu.memref_squeeze %dma_start3A_110 : memref<1x1x128xi32, #tpu.memory_space<vmem>> -> memref<1x128xi32, #tpu.memory_space<vmem>>
    %dma_start3A_112 = arith.constant 0 : i32
    %dma_start3A_113 = arith.constant 0 : i32
    %dma_start3A_114 = tpu.memref_slice %arg4[%add3A_95, %dma_start3A_112, %dma_start3A_113] : memref<2500x1x128xi32, #tpu.memory_space<hbm>> -> memref<1x1x128xi32, #tpu.memory_space<hbm>>
    %dma_start3A_115 = tpu.memref_squeeze %dma_start3A_114 : memref<1x1x128xi32, #tpu.memory_space<hbm>> -> memref<1x128xi32, #tpu.memory_space<hbm>>
    tpu.enqueue_dma source(%dma_start3A_115 : memref<1x128xi32, #tpu.memory_space<hbm>>) target(%dma_start3A_111 : memref<1x128xi32, #tpu.memory_space<vmem>>) target_semaphore(%dma_start3A_107 : memref<!tpu.dma_semaphore, #tpu.memory_space<semaphore_mem>>)
    %add3A_116 = arith.constant 1 : i32
    %add3A_117 = arith.addi %mul3A_2, %add3A_116 : i32
    %dma_start3A_118 = arith.constant 1 : i32
    %dma_start3A_119 = arith.constant 1 : i32
    %dma_start3A_120 = arith.constant 0 : i32
    %dma_start3A_121 = arith.constant 0 : i32
    %dma_start3A_122 = tpu.memref_slice %arg7[%dma_start3A_118, %dma_start3A_120, %dma_start3A_121] : memref<4x1x128xi32, #tpu.memory_space<vmem>> -> memref<1x1x128xi32, #tpu.memory_space<vmem>>
    %dma_start3A_123 = tpu.memref_squeeze %dma_start3A_122 : memref<1x1x128xi32, #tpu.memory_space<vmem>> -> memref<1x128xi32, #tpu.memory_space<vmem>>
    %dma_start3A_124 = arith.constant 0 : i32
    %dma_start3A_125 = arith.constant 0 : i32
    %dma_start3A_126 = tpu.memref_slice %arg3[%add3A_117, %dma_start3A_124, %dma_start3A_125] : memref<2500x1x128xi32, #tpu.memory_space<hbm>> -> memref<1x1x128xi32, #tpu.memory_space<hbm>>
    %dma_start3A_127 = tpu.memref_squeeze %dma_start3A_126 : memref<1x1x128xi32, #tpu.memory_space<hbm>> -> memref<1x128xi32, #tpu.memory_space<hbm>>
    %dma_start3A_128 = tpu.memref_slice %arg15[%dma_start3A_119] : memref<4x!tpu.dma_semaphore, #tpu.memory_space<semaphore_mem>> -> memref<1x!tpu.dma_semaphore, #tpu.memory_space<semaphore_mem>>
    %dma_start3A_129 = tpu.memref_squeeze %dma_start3A_128 : memref<1x!tpu.dma_semaphore, #tpu.memory_space<semaphore_mem>> -> memref<!tpu.dma_semaphore, #tpu.memory_space<semaphore_mem>>
    %dma_start3A_130 = arith.constant 0 : i32
    %dma_start3A_131 = arith.constant 0 : i32
    %dma_start3A_132 = tpu.memref_slice %arg7[%dma_start3A_118, %dma_start3A_130, %dma_start3A_131] : memref<4x1x128xi32, #tpu.memory_space<vmem>> -> memref<1x1x128xi32, #tpu.memory_space<vmem>>
    %dma_start3A_133 = tpu.memref_squeeze %dma_start3A_132 : memref<1x1x128xi32, #tpu.memory_space<vmem>> -> memref<1x128xi32, #tpu.memory_space<vmem>>
    %dma_start3A_134 = arith.constant 0 : i32
    %dma_start3A_135 = arith.constant 0 : i32
    %dma_start3A_136 = tpu.memref_slice %arg3[%add3A_117, %dma_start3A_134, %dma_start3A_135] : memref<2500x1x128xi32, #tpu.memory_space<hbm>> -> memref<1x1x128xi32, #tpu.memory_space<hbm>>
    %dma_start3A_137 = tpu.memref_squeeze %dma_start3A_136 : memref<1x1x128xi32, #tpu.memory_space<hbm>> -> memref<1x128xi32, #tpu.memory_space<hbm>>
    tpu.enqueue_dma source(%dma_start3A_137 : memref<1x128xi32, #tpu.memory_space<hbm>>) target(%dma_start3A_133 : memref<1x128xi32, #tpu.memory_space<vmem>>) target_semaphore(%dma_start3A_129 : memref<!tpu.dma_semaphore, #tpu.memory_space<semaphore_mem>>)
    %add3A_138 = arith.constant 1 : i32
    %add3A_139 = arith.addi %mul3A_2, %add3A_138 : i32
    %dma_start3A_140 = arith.constant 1 : i32
    %dma_start3A_141 = arith.constant 1 : i32
    %dma_start3A_142 = arith.constant 0 : i32
    %dma_start3A_143 = arith.constant 0 : i32
    %dma_start3A_144 = tpu.memref_slice %arg8[%dma_start3A_140, %dma_start3A_142, %dma_start3A_143] : memref<4x1x128xi32, #tpu.memory_space<vmem>> -> memref<1x1x128xi32, #tpu.memory_space<vmem>>
    %dma_start3A_145 = tpu.memref_squeeze %dma_start3A_144 : memref<1x1x128xi32, #tpu.memory_space<vmem>> -> memref<1x128xi32, #tpu.memory_space<vmem>>
    %dma_start3A_146 = arith.constant 0 : i32
    %dma_start3A_147 = arith.constant 0 : i32
    %dma_start3A_148 = tpu.memref_slice %arg4[%add3A_139, %dma_start3A_146, %dma_start3A_147] : memref<2500x1x128xi32, #tpu.memory_space<hbm>> -> memref<1x1x128xi32, #tpu.memory_space<hbm>>
    %dma_start3A_149 = tpu.memref_squeeze %dma_start3A_148 : memref<1x1x128xi32, #tpu.memory_space<hbm>> -> memref<1x128xi32, #tpu.memory_space<hbm>>
    %dma_start3A_150 = tpu.memref_slice %arg15[%dma_start3A_141] : memref<4x!tpu.dma_semaphore, #tpu.memory_space<semaphore_mem>> -> memref<1x!tpu.dma_semaphore, #tpu.memory_space<semaphore_mem>>
    %dma_start3A_151 = tpu.memref_squeeze %dma_start3A_150 : memref<1x!tpu.dma_semaphore, #tpu.memory_space<semaphore_mem>> -> memref<!tpu.dma_semaphore, #tpu.memory_space<semaphore_mem>>
    %dma_start3A_152 = arith.constant 0 : i32
    %dma_start3A_153 = arith.constant 0 : i32
    %dma_start3A_154 = tpu.memref_slice %arg8[%dma_start3A_140, %dma_start3A_152, %dma_start3A_153] : memref<4x1x128xi32, #tpu.memory_space<vmem>> -> memref<1x1x128xi32, #tpu.memory_space<vmem>>
    %dma_start3A_155 = tpu.memref_squeeze %dma_start3A_154 : memref<1x1x128xi32, #tpu.memory_space<vmem>> -> memref<1x128xi32, #tpu.memory_space<vmem>>
    %dma_start3A_156 = arith.constant 0 : i32
    %dma_start3A_157 = arith.constant 0 : i32
    %dma_start3A_158 = tpu.memref_slice %arg4[%add3A_139, %dma_start3A_156, %dma_start3A_157] : memref<2500x1x128xi32, #tpu.memory_space<hbm>> -> memref<1x1x128xi32, #tpu.memory_space<hbm>>
    %dma_start3A_159 = tpu.memref_squeeze %dma_start3A_158 : memref<1x1x128xi32, #tpu.memory_space<hbm>> -> memref<1x128xi32, #tpu.memory_space<hbm>>
    tpu.enqueue_dma source(%dma_start3A_159 : memref<1x128xi32, #tpu.memory_space<hbm>>) target(%dma_start3A_155 : memref<1x128xi32, #tpu.memory_space<vmem>>) target_semaphore(%dma_start3A_151 : memref<!tpu.dma_semaphore, #tpu.memory_space<semaphore_mem>>)
    %add3A_160 = arith.constant 2 : i32
    %add3A_161 = arith.addi %mul3A_2, %add3A_160 : i32
    %dma_start3A_162 = arith.constant 2 : i32
    %dma_start3A_163 = arith.constant 2 : i32
    %dma_start3A_164 = arith.constant 0 : i32
    %dma_start3A_165 = arith.constant 0 : i32
    %dma_start3A_166 = tpu.memref_slice %arg7[%dma_start3A_162, %dma_start3A_164, %dma_start3A_165] : memref<4x1x128xi32, #tpu.memory_space<vmem>> -> memref<1x1x128xi32, #tpu.memory_space<vmem>>
    %dma_start3A_167 = tpu.memref_squeeze %dma_start3A_166 : memref<1x1x128xi32, #tpu.memory_space<vmem>> -> memref<1x128xi32, #tpu.memory_space<vmem>>
    %dma_start3A_168 = arith.constant 0 : i32
    %dma_start3A_169 = arith.constant 0 : i32
    %dma_start3A_170 = tpu.memref_slice %arg3[%add3A_161, %dma_start3A_168, %dma_start3A_169] : memref<2500x1x128xi32, #tpu.memory_space<hbm>> -> memref<1x1x128xi32, #tpu.memory_space<hbm>>
    %dma_start3A_171 = tpu.memref_squeeze %dma_start3A_170 : memref<1x1x128xi32, #tpu.memory_space<hbm>> -> memref<1x128xi32, #tpu.memory_space<hbm>>
    %dma_start3A_172 = tpu.memref_slice %arg15[%dma_start3A_163] : memref<4x!tpu.dma_semaphore, #tpu.memory_space<semaphore_mem>> -> memref<1x!tpu.dma_semaphore, #tpu.memory_space<semaphore_mem>>
    %dma_start3A_173 = tpu.memref_squeeze %dma_start3A_172 : memref<1x!tpu.dma_semaphore, #tpu.memory_space<semaphore_mem>> -> memref<!tpu.dma_semaphore, #tpu.memory_space<semaphore_mem>>
    %dma_start3A_174 = arith.constant 0 : i32
    %dma_start3A_175 = arith.constant 0 : i32
    %dma_start3A_176 = tpu.memref_slice %arg7[%dma_start3A_162, %dma_start3A_174, %dma_start3A_175] : memref<4x1x128xi32, #tpu.memory_space<vmem>> -> memref<1x1x128xi32, #tpu.memory_space<vmem>>
    %dma_start3A_177 = tpu.memref_squeeze %dma_start3A_176 : memref<1x1x128xi32, #tpu.memory_space<vmem>> -> memref<1x128xi32, #tpu.memory_space<vmem>>
    %dma_start3A_178 = arith.constant 0 : i32
    %dma_start3A_179 = arith.constant 0 : i32
    %dma_start3A_180 = tpu.memref_slice %arg3[%add3A_161, %dma_start3A_178, %dma_start3A_179] : memref<2500x1x128xi32, #tpu.memory_space<hbm>> -> memref<1x1x128xi32, #tpu.memory_space<hbm>>
    %dma_start3A_181 = tpu.memref_squeeze %dma_start3A_180 : memref<1x1x128xi32, #tpu.memory_space<hbm>> -> memref<1x128xi32, #tpu.memory_space<hbm>>
    tpu.enqueue_dma source(%dma_start3A_181 : memref<1x128xi32, #tpu.memory_space<hbm>>) target(%dma_start3A_177 : memref<1x128xi32, #tpu.memory_space<vmem>>) target_semaphore(%dma_start3A_173 : memref<!tpu.dma_semaphore, #tpu.memory_space<semaphore_mem>>)
    %add3A_182 = arith.constant 2 : i32
    %add3A_183 = arith.addi %mul3A_2, %add3A_182 : i32
    %dma_start3A_184 = arith.constant 2 : i32
    %dma_start3A_185 = arith.constant 2 : i32
    %dma_start3A_186 = arith.constant 0 : i32
    %dma_start3A_187 = arith.constant 0 : i32
    %dma_start3A_188 = tpu.memref_slice %arg8[%dma_start3A_184, %dma_start3A_186, %dma_start3A_187] : memref<4x1x128xi32, #tpu.memory_space<vmem>> -> memref<1x1x128xi32, #tpu.memory_space<vmem>>
    %dma_start3A_189 = tpu.memref_squeeze %dma_start3A_188 : memref<1x1x128xi32, #tpu.memory_space<vmem>> -> memref<1x128xi32, #tpu.memory_space<vmem>>
    %dma_start3A_190 = arith.constant 0 : i32
    %dma_start3A_191 = arith.constant 0 : i32
    %dma_start3A_192 = tpu.memref_slice %arg4[%add3A_183, %dma_start3A_190, %dma_start3A_191] : memref<2500x1x128xi32, #tpu.memory_space<hbm>> -> memref<1x1x128xi32, #tpu.memory_space<hbm>>
    %dma_start3A_193 = tpu.memref_squeeze %dma_start3A_192 : memref<1x1x128xi32, #tpu.memory_space<hbm>> -> memref<1x128xi32, #tpu.memory_space<hbm>>
    %dma_start3A_194 = tpu.memref_slice %arg15[%dma_start3A_185] : memref<4x!tpu.dma_semaphore, #tpu.memory_space<semaphore_mem>> -> memref<1x!tpu.dma_semaphore, #tpu.memory_space<semaphore_mem>>
    %dma_start3A_195 = tpu.memref_squeeze %dma_start3A_194 : memref<1x!tpu.dma_semaphore, #tpu.memory_space<semaphore_mem>> -> memref<!tpu.dma_semaphore, #tpu.memory_space<semaphore_mem>>
    %dma_start3A_196 = arith.constant 0 : i32
    %dma_start3A_197 = arith.constant 0 : i32
    %dma_start3A_198 = tpu.memref_slice %arg8[%dma_start3A_184, %dma_start3A_196, %dma_start3A_197] : memref<4x1x128xi32, #tpu.memory_space<vmem>> -> memref<1x1x128xi32, #tpu.memory_space<vmem>>
    %dma_start3A_199 = tpu.memref_squeeze %dma_start3A_198 : memref<1x1x128xi32, #tpu.memory_space<vmem>> -> memref<1x128xi32, #tpu.memory_space<vmem>>
    %dma_start3A_200 = arith.constant 0 : i32
    %dma_start3A_201 = arith.constant 0 : i32
    %dma_start3A_202 = tpu.memref_slice %arg4[%add3A_183, %dma_start3A_200, %dma_start3A_201] : memref<2500x1x128xi32, #tpu.memory_space<hbm>> -> memref<1x1x128xi32, #tpu.memory_space<hbm>>
    %dma_start3A_203 = tpu.memref_squeeze %dma_start3A_202 : memref<1x1x128xi32, #tpu.memory_space<hbm>> -> memref<1x128xi32, #tpu.memory_space<hbm>>
    tpu.enqueue_dma source(%dma_start3A_203 : memref<1x128xi32, #tpu.memory_space<hbm>>) target(%dma_start3A_199 : memref<1x128xi32, #tpu.memory_space<vmem>>) target_semaphore(%dma_start3A_195 : memref<!tpu.dma_semaphore, #tpu.memory_space<semaphore_mem>>)
    %add3A_204 = arith.constant 3 : i32
    %add3A_205 = arith.addi %mul3A_2, %add3A_204 : i32
    %dma_start3A_206 = arith.constant 3 : i32
    %dma_start3A_207 = arith.constant 3 : i32
    %dma_start3A_208 = arith.constant 0 : i32
    %dma_start3A_209 = arith.constant 0 : i32
    %dma_start3A_210 = tpu.memref_slice %arg7[%dma_start3A_206, %dma_start3A_208, %dma_start3A_209] : memref<4x1x128xi32, #tpu.memory_space<vmem>> -> memref<1x1x128xi32, #tpu.memory_space<vmem>>
    %dma_start3A_211 = tpu.memref_squeeze %dma_start3A_210 : memref<1x1x128xi32, #tpu.memory_space<vmem>> -> memref<1x128xi32, #tpu.memory_space<vmem>>
    %dma_start3A_212 = arith.constant 0 : i32
    %dma_start3A_213 = arith.constant 0 : i32
    %dma_start3A_214 = tpu.memref_slice %arg3[%add3A_205, %dma_start3A_212, %dma_start3A_213] : memref<2500x1x128xi32, #tpu.memory_space<hbm>> -> memref<1x1x128xi32, #tpu.memory_space<hbm>>
    %dma_start3A_215 = tpu.memref_squeeze %dma_start3A_214 : memref<1x1x128xi32, #tpu.memory_space<hbm>> -> memref<1x128xi32, #tpu.memory_space<hbm>>
    %dma_start3A_216 = tpu.memref_slice %arg15[%dma_start3A_207] : memref<4x!tpu.dma_semaphore, #tpu.memory_space<semaphore_mem>> -> memref<1x!tpu.dma_semaphore, #tpu.memory_space<semaphore_mem>>
    %dma_start3A_217 = tpu.memref_squeeze %dma_start3A_216 : memref<1x!tpu.dma_semaphore, #tpu.memory_space<semaphore_mem>> -> memref<!tpu.dma_semaphore, #tpu.memory_space<semaphore_mem>>
    %dma_start3A_218 = arith.constant 0 : i32
    %dma_start3A_219 = arith.constant 0 : i32
    %dma_start3A_220 = tpu.memref_slice %arg7[%dma_start3A_206, %dma_start3A_218, %dma_start3A_219] : memref<4x1x128xi32, #tpu.memory_space<vmem>> -> memref<1x1x128xi32, #tpu.memory_space<vmem>>
    %dma_start3A_221 = tpu.memref_squeeze %dma_start3A_220 : memref<1x1x128xi32, #tpu.memory_space<vmem>> -> memref<1x128xi32, #tpu.memory_space<vmem>>
    %dma_start3A_222 = arith.constant 0 : i32
    %dma_start3A_223 = arith.constant 0 : i32
    %dma_start3A_224 = tpu.memref_slice %arg3[%add3A_205, %dma_start3A_222, %dma_start3A_223] : memref<2500x1x128xi32, #tpu.memory_space<hbm>> -> memref<1x1x128xi32, #tpu.memory_space<hbm>>
    %dma_start3A_225 = tpu.memref_squeeze %dma_start3A_224 : memref<1x1x128xi32, #tpu.memory_space<hbm>> -> memref<1x128xi32, #tpu.memory_space<hbm>>
    tpu.enqueue_dma source(%dma_start3A_225 : memref<1x128xi32, #tpu.memory_space<hbm>>) target(%dma_start3A_221 : memref<1x128xi32, #tpu.memory_space<vmem>>) target_semaphore(%dma_start3A_217 : memref<!tpu.dma_semaphore, #tpu.memory_space<semaphore_mem>>)
    %add3A_226 = arith.constant 3 : i32
    %add3A_227 = arith.addi %mul3A_2, %add3A_226 : i32
    %dma_start3A_228 = arith.constant 3 : i32
    %dma_start3A_229 = arith.constant 3 : i32
    %dma_start3A_230 = arith.constant 0 : i32
    %dma_start3A_231 = arith.constant 0 : i32
    %dma_start3A_232 = tpu.memref_slice %arg8[%dma_start3A_228, %dma_start3A_230, %dma_start3A_231] : memref<4x1x128xi32, #tpu.memory_space<vmem>> -> memref<1x1x128xi32, #tpu.memory_space<vmem>>
    %dma_start3A_233 = tpu.memref_squeeze %dma_start3A_232 : memref<1x1x128xi32, #tpu.memory_space<vmem>> -> memref<1x128xi32, #tpu.memory_space<vmem>>
    %dma_start3A_234 = arith.constant 0 : i32
    %dma_start3A_235 = arith.constant 0 : i32
    %dma_start3A_236 = tpu.memref_slice %arg4[%add3A_227, %dma_start3A_234, %dma_start3A_235] : memref<2500x1x128xi32, #tpu.memory_space<hbm>> -> memref<1x1x128xi32, #tpu.memory_space<hbm>>
    %dma_start3A_237 = tpu.memref_squeeze %dma_start3A_236 : memref<1x1x128xi32, #tpu.memory_space<hbm>> -> memref<1x128xi32, #tpu.memory_space<hbm>>
    %dma_start3A_238 = tpu.memref_slice %arg15[%dma_start3A_229] : memref<4x!tpu.dma_semaphore, #tpu.memory_space<semaphore_mem>> -> memref<1x!tpu.dma_semaphore, #tpu.memory_space<semaphore_mem>>
    %dma_start3A_239 = tpu.memref_squeeze %dma_start3A_238 : memref<1x!tpu.dma_semaphore, #tpu.memory_space<semaphore_mem>> -> memref<!tpu.dma_semaphore, #tpu.memory_space<semaphore_mem>>
    %dma_start3A_240 = arith.constant 0 : i32
    %dma_start3A_241 = arith.constant 0 : i32
    %dma_start3A_242 = tpu.memref_slice %arg8[%dma_start3A_228, %dma_start3A_240, %dma_start3A_241] : memref<4x1x128xi32, #tpu.memory_space<vmem>> -> memref<1x1x128xi32, #tpu.memory_space<vmem>>
    %dma_start3A_243 = tpu.memref_squeeze %dma_start3A_242 : memref<1x1x128xi32, #tpu.memory_space<vmem>> -> memref<1x128xi32, #tpu.memory_space<vmem>>
    %dma_start3A_244 = arith.constant 0 : i32
    %dma_start3A_245 = arith.constant 0 : i32
    %dma_start3A_246 = tpu.memref_slice %arg4[%add3A_227, %dma_start3A_244, %dma_start3A_245] : memref<2500x1x128xi32, #tpu.memory_space<hbm>> -> memref<1x1x128xi32, #tpu.memory_space<hbm>>
    %dma_start3A_247 = tpu.memref_squeeze %dma_start3A_246 : memref<1x1x128xi32, #tpu.memory_space<hbm>> -> memref<1x128xi32, #tpu.memory_space<hbm>>
    tpu.enqueue_dma source(%dma_start3A_247 : memref<1x128xi32, #tpu.memory_space<hbm>>) target(%dma_start3A_243 : memref<1x128xi32, #tpu.memory_space<vmem>>) target_semaphore(%dma_start3A_239 : memref<!tpu.dma_semaphore, #tpu.memory_space<semaphore_mem>>)
    %add3A_248 = arith.constant 0 : i32
    %add3A_249 = arith.addi %mul3A_2, %add3A_248 : i32
    %dma_wait3A = arith.constant 0 : i32
    %dma_wait3A_250 = arith.constant 0 : i32
    %dma_wait3A_251 = arith.constant 0 : i32
    %dma_wait3A_252 = arith.constant 0 : i32
    %dma_wait3A_253 = tpu.memref_slice %arg7[%dma_wait3A, %dma_wait3A_251, %dma_wait3A_252] : memref<4x1x128xi32, #tpu.memory_space<vmem>> -> memref<1x1x128xi32, #tpu.memory_space<vmem>>
    %dma_wait3A_254 = tpu.memref_squeeze %dma_wait3A_253 : memref<1x1x128xi32, #tpu.memory_space<vmem>> -> memref<1x128xi32, #tpu.memory_space<vmem>>
    %dma_wait3A_255 = arith.constant 0 : i32
    %dma_wait3A_256 = arith.constant 0 : i32
    %dma_wait3A_257 = tpu.memref_slice %arg3[%add3A_249, %dma_wait3A_255, %dma_wait3A_256] : memref<2500x1x128xi32, #tpu.memory_space<hbm>> -> memref<1x1x128xi32, #tpu.memory_space<hbm>>
    %dma_wait3A_258 = tpu.memref_squeeze %dma_wait3A_257 : memref<1x1x128xi32, #tpu.memory_space<hbm>> -> memref<1x128xi32, #tpu.memory_space<hbm>>
    %dma_wait3A_259 = tpu.memref_slice %arg15[%dma_wait3A_250] : memref<4x!tpu.dma_semaphore, #tpu.memory_space<semaphore_mem>> -> memref<1x!tpu.dma_semaphore, #tpu.memory_space<semaphore_mem>>
    %dma_wait3A_260 = tpu.memref_squeeze %dma_wait3A_259 : memref<1x!tpu.dma_semaphore, #tpu.memory_space<semaphore_mem>> -> memref<!tpu.dma_semaphore, #tpu.memory_space<semaphore_mem>>
    %dma_wait3A_261 = arith.constant 0 : i32
    %dma_wait3A_262 = arith.constant 0 : i32
    %dma_wait3A_263 = tpu.memref_slice %arg7[%dma_wait3A, %dma_wait3A_261, %dma_wait3A_262] : memref<4x1x128xi32, #tpu.memory_space<vmem>> -> memref<1x1x128xi32, #tpu.memory_space<vmem>>
    %dma_wait3A_264 = tpu.memref_squeeze %dma_wait3A_263 : memref<1x1x128xi32, #tpu.memory_space<vmem>> -> memref<1x128xi32, #tpu.memory_space<vmem>>
    %dma_wait3A_265 = arith.constant 0 : i32
    %dma_wait3A_266 = arith.constant 0 : i32
    %dma_wait3A_267 = tpu.memref_slice %arg3[%add3A_249, %dma_wait3A_265, %dma_wait3A_266] : memref<2500x1x128xi32, #tpu.memory_space<hbm>> -> memref<1x1x128xi32, #tpu.memory_space<hbm>>
    %dma_wait3A_268 = tpu.memref_squeeze %dma_wait3A_267 : memref<1x1x128xi32, #tpu.memory_space<hbm>> -> memref<1x128xi32, #tpu.memory_space<hbm>>
    tpu.wait_dma2 semaphore(%dma_wait3A_260 : memref<!tpu.dma_semaphore, #tpu.memory_space<semaphore_mem>>) src(%dma_wait3A_268 : memref<1x128xi32, #tpu.memory_space<hbm>>) dst(%dma_wait3A_264 : memref<1x128xi32, #tpu.memory_space<vmem>>)
    %add3A_269 = arith.constant 0 : i32
    %add3A_270 = arith.addi %mul3A_2, %add3A_269 : i32
    %dma_wait3A_271 = arith.constant 0 : i32
    %dma_wait3A_272 = arith.constant 0 : i32
    %dma_wait3A_273 = arith.constant 0 : i32
    %dma_wait3A_274 = arith.constant 0 : i32
    %dma_wait3A_275 = tpu.memref_slice %arg8[%dma_wait3A_271, %dma_wait3A_273, %dma_wait3A_274] : memref<4x1x128xi32, #tpu.memory_space<vmem>> -> memref<1x1x128xi32, #tpu.memory_space<vmem>>
    %dma_wait3A_276 = tpu.memref_squeeze %dma_wait3A_275 : memref<1x1x128xi32, #tpu.memory_space<vmem>> -> memref<1x128xi32, #tpu.memory_space<vmem>>
    %dma_wait3A_277 = arith.constant 0 : i32
    %dma_wait3A_278 = arith.constant 0 : i32
    %dma_wait3A_279 = tpu.memref_slice %arg4[%add3A_270, %dma_wait3A_277, %dma_wait3A_278] : memref<2500x1x128xi32, #tpu.memory_space<hbm>> -> memref<1x1x128xi32, #tpu.memory_space<hbm>>
    %dma_wait3A_280 = tpu.memref_squeeze %dma_wait3A_279 : memref<1x1x128xi32, #tpu.memory_space<hbm>> -> memref<1x128xi32, #tpu.memory_space<hbm>>
    %dma_wait3A_281 = tpu.memref_slice %arg15[%dma_wait3A_272] : memref<4x!tpu.dma_semaphore, #tpu.memory_space<semaphore_mem>> -> memref<1x!tpu.dma_semaphore, #tpu.memory_space<semaphore_mem>>
    %dma_wait3A_282 = tpu.memref_squeeze %dma_wait3A_281 : memref<1x!tpu.dma_semaphore, #tpu.memory_space<semaphore_mem>> -> memref<!tpu.dma_semaphore, #tpu.memory_space<semaphore_mem>>
    %dma_wait3A_283 = arith.constant 0 : i32
    %dma_wait3A_284 = arith.constant 0 : i32
    %dma_wait3A_285 = tpu.memref_slice %arg8[%dma_wait3A_271, %dma_wait3A_283, %dma_wait3A_284] : memref<4x1x128xi32, #tpu.memory_space<vmem>> -> memref<1x1x128xi32, #tpu.memory_space<vmem>>
    %dma_wait3A_286 = tpu.memref_squeeze %dma_wait3A_285 : memref<1x1x128xi32, #tpu.memory_space<vmem>> -> memref<1x128xi32, #tpu.memory_space<vmem>>
    %dma_wait3A_287 = arith.constant 0 : i32
    %dma_wait3A_288 = arith.constant 0 : i32
    %dma_wait3A_289 = tpu.memref_slice %arg4[%add3A_270, %dma_wait3A_287, %dma_wait3A_288] : memref<2500x1x128xi32, #tpu.memory_space<hbm>> -> memref<1x1x128xi32, #tpu.memory_space<hbm>>
    %dma_wait3A_290 = tpu.memref_squeeze %dma_wait3A_289 : memref<1x1x128xi32, #tpu.memory_space<hbm>> -> memref<1x128xi32, #tpu.memory_space<hbm>>
    tpu.wait_dma2 semaphore(%dma_wait3A_282 : memref<!tpu.dma_semaphore, #tpu.memory_space<semaphore_mem>>) src(%dma_wait3A_290 : memref<1x128xi32, #tpu.memory_space<hbm>>) dst(%dma_wait3A_286 : memref<1x128xi32, #tpu.memory_space<vmem>>)
    %dma_start3A_291 = arith.constant 0 : i32
    %dma_start3A_292 = arith.constant 0 : i32
    %dma_start3A_293 = arith.constant 0 : i32
    %dma_start3A_294 = arith.constant 0 : i32
    %dma_start3A_295 = arith.constant 0 : i32
    %dma_start3A_296 = arith.constant 0 : i32
    %dma_start3A_297 = tpu.memref_slice %arg9[%dma_start3A_293, %dma_start3A_295, %dma_start3A_296] : memref<2x128x128xf32, #tpu.memory_space<vmem>> -> memref<1x128x128xf32, #tpu.memory_space<vmem>>
    %dma_start3A_298 = tpu.memref_squeeze %dma_start3A_297 : memref<1x128x128xf32, #tpu.memory_space<vmem>> -> memref<128x128xf32, #tpu.memory_space<vmem>>
    %dma_start3A_299 = arith.constant 0 : i32
    %dma_start3A_300 = tpu.memref_slice %arg7[%dma_start3A_291, %dma_start3A_292, %dma_start3A_299] : memref<4x1x128xi32, #tpu.memory_space<vmem>> -> memref<1x1x128xi32, #tpu.memory_space<vmem>>
    %dma_start3A_301 = tpu.memref_squeeze %dma_start3A_300 : memref<1x1x128xi32, #tpu.memory_space<vmem>> -> memref<128xi32, #tpu.memory_space<vmem>>
    %dma_start3A_302 = arith.constant 0 : i32
    %dma_start3A_303 = arith.constant 0 : i32
    %dma_start3A_304 = tpu.memref_slice %arg2[%dma_start3A_302, %dma_start3A_303] : memref<10000x128xf32, #tpu.memory_space<hbm>> -> memref<10000x128xf32, #tpu.memory_space<hbm>>
    %dma_start3A_305 = tpu.memref_slice %arg16[%dma_start3A_294] : memref<2x!tpu.dma_semaphore, #tpu.memory_space<semaphore_mem>> -> memref<1x!tpu.dma_semaphore, #tpu.memory_space<semaphore_mem>>
    %dma_start3A_306 = tpu.memref_squeeze %dma_start3A_305 : memref<1x!tpu.dma_semaphore, #tpu.memory_space<semaphore_mem>> -> memref<!tpu.dma_semaphore, #tpu.memory_space<semaphore_mem>>
    tpu.enqueue_indirect_dma source(%dma_start3A_304 : memref<10000x128xf32, #tpu.memory_space<hbm>>) target(%dma_start3A_298 : memref<128x128xf32, #tpu.memory_space<vmem>>) offsets(%dma_start3A_301 : memref<128xi32, #tpu.memory_space<vmem>>) semaphore(%dma_start3A_306 : memref<!tpu.dma_semaphore, #tpu.memory_space<semaphore_mem>>)
    %add3A_307 = arith.constant 1 : i32
    %add3A_308 = arith.addi %mul3A_2, %add3A_307 : i32
    %dma_wait3A_309 = arith.constant 1 : i32
    %dma_wait3A_310 = arith.constant 1 : i32
    %dma_wait3A_311 = arith.constant 0 : i32
    %dma_wait3A_312 = arith.constant 0 : i32
    %dma_wait3A_313 = tpu.memref_slice %arg7[%dma_wait3A_309, %dma_wait3A_311, %dma_wait3A_312] : memref<4x1x128xi32, #tpu.memory_space<vmem>> -> memref<1x1x128xi32, #tpu.memory_space<vmem>>
    %dma_wait3A_314 = tpu.memref_squeeze %dma_wait3A_313 : memref<1x1x128xi32, #tpu.memory_space<vmem>> -> memref<1x128xi32, #tpu.memory_space<vmem>>
    %dma_wait3A_315 = arith.constant 0 : i32
    %dma_wait3A_316 = arith.constant 0 : i32
    %dma_wait3A_317 = tpu.memref_slice %arg3[%add3A_308, %dma_wait3A_315, %dma_wait3A_316] : memref<2500x1x128xi32, #tpu.memory_space<hbm>> -> memref<1x1x128xi32, #tpu.memory_space<hbm>>
    %dma_wait3A_318 = tpu.memref_squeeze %dma_wait3A_317 : memref<1x1x128xi32, #tpu.memory_space<hbm>> -> memref<1x128xi32, #tpu.memory_space<hbm>>
    %dma_wait3A_319 = tpu.memref_slice %arg15[%dma_wait3A_310] : memref<4x!tpu.dma_semaphore, #tpu.memory_space<semaphore_mem>> -> memref<1x!tpu.dma_semaphore, #tpu.memory_space<semaphore_mem>>
    %dma_wait3A_320 = tpu.memref_squeeze %dma_wait3A_319 : memref<1x!tpu.dma_semaphore, #tpu.memory_space<semaphore_mem>> -> memref<!tpu.dma_semaphore, #tpu.memory_space<semaphore_mem>>
    %dma_wait3A_321 = arith.constant 0 : i32
    %dma_wait3A_322 = arith.constant 0 : i32
    %dma_wait3A_323 = tpu.memref_slice %arg7[%dma_wait3A_309, %dma_wait3A_321, %dma_wait3A_322] : memref<4x1x128xi32, #tpu.memory_space<vmem>> -> memref<1x1x128xi32, #tpu.memory_space<vmem>>
    %dma_wait3A_324 = tpu.memref_squeeze %dma_wait3A_323 : memref<1x1x128xi32, #tpu.memory_space<vmem>> -> memref<1x128xi32, #tpu.memory_space<vmem>>
    %dma_wait3A_325 = arith.constant 0 : i32
    %dma_wait3A_326 = arith.constant 0 : i32
    %dma_wait3A_327 = tpu.memref_slice %arg3[%add3A_308, %dma_wait3A_325, %dma_wait3A_326] : memref<2500x1x128xi32, #tpu.memory_space<hbm>> -> memref<1x1x128xi32, #tpu.memory_space<hbm>>
    %dma_wait3A_328 = tpu.memref_squeeze %dma_wait3A_327 : memref<1x1x128xi32, #tpu.memory_space<hbm>> -> memref<1x128xi32, #tpu.memory_space<hbm>>
    tpu.wait_dma2 semaphore(%dma_wait3A_320 : memref<!tpu.dma_semaphore, #tpu.memory_space<semaphore_mem>>) src(%dma_wait3A_328 : memref<1x128xi32, #tpu.memory_space<hbm>>) dst(%dma_wait3A_324 : memref<1x128xi32, #tpu.memory_space<vmem>>)
    %add3A_329 = arith.constant 1 : i32
    %add3A_330 = arith.addi %mul3A_2, %add3A_329 : i32
    %dma_wait3A_331 = arith.constant 1 : i32
    %dma_wait3A_332 = arith.constant 1 : i32
    %dma_wait3A_333 = arith.constant 0 : i32
    %dma_wait3A_334 = arith.constant 0 : i32
    %dma_wait3A_335 = tpu.memref_slice %arg8[%dma_wait3A_331, %dma_wait3A_333, %dma_wait3A_334] : memref<4x1x128xi32, #tpu.memory_space<vmem>> -> memref<1x1x128xi32, #tpu.memory_space<vmem>>
    %dma_wait3A_336 = tpu.memref_squeeze %dma_wait3A_335 : memref<1x1x128xi32, #tpu.memory_space<vmem>> -> memref<1x128xi32, #tpu.memory_space<vmem>>
    %dma_wait3A_337 = arith.constant 0 : i32
    %dma_wait3A_338 = arith.constant 0 : i32
    %dma_wait3A_339 = tpu.memref_slice %arg4[%add3A_330, %dma_wait3A_337, %dma_wait3A_338] : memref<2500x1x128xi32, #tpu.memory_space<hbm>> -> memref<1x1x128xi32, #tpu.memory_space<hbm>>
    %dma_wait3A_340 = tpu.memref_squeeze %dma_wait3A_339 : memref<1x1x128xi32, #tpu.memory_space<hbm>> -> memref<1x128xi32, #tpu.memory_space<hbm>>
    %dma_wait3A_341 = tpu.memref_slice %arg15[%dma_wait3A_332] : memref<4x!tpu.dma_semaphore, #tpu.memory_space<semaphore_mem>> -> memref<1x!tpu.dma_semaphore, #tpu.memory_space<semaphore_mem>>
    %dma_wait3A_342 = tpu.memref_squeeze %dma_wait3A_341 : memref<1x!tpu.dma_semaphore, #tpu.memory_space<semaphore_mem>> -> memref<!tpu.dma_semaphore, #tpu.memory_space<semaphore_mem>>
    %dma_wait3A_343 = arith.constant 0 : i32
    %dma_wait3A_344 = arith.constant 0 : i32
    %dma_wait3A_345 = tpu.memref_slice %arg8[%dma_wait3A_331, %dma_wait3A_343, %dma_wait3A_344] : memref<4x1x128xi32, #tpu.memory_space<vmem>> -> memref<1x1x128xi32, #tpu.memory_space<vmem>>
    %dma_wait3A_346 = tpu.memref_squeeze %dma_wait3A_345 : memref<1x1x128xi32, #tpu.memory_space<vmem>> -> memref<1x128xi32, #tpu.memory_space<vmem>>
    %dma_wait3A_347 = arith.constant 0 : i32
    %dma_wait3A_348 = arith.constant 0 : i32
    %dma_wait3A_349 = tpu.memref_slice %arg4[%add3A_330, %dma_wait3A_347, %dma_wait3A_348] : memref<2500x1x128xi32, #tpu.memory_space<hbm>> -> memref<1x1x128xi32, #tpu.memory_space<hbm>>
    %dma_wait3A_350 = tpu.memref_squeeze %dma_wait3A_349 : memref<1x1x128xi32, #tpu.memory_space<hbm>> -> memref<1x128xi32, #tpu.memory_space<hbm>>
    tpu.wait_dma2 semaphore(%dma_wait3A_342 : memref<!tpu.dma_semaphore, #tpu.memory_space<semaphore_mem>>) src(%dma_wait3A_350 : memref<1x128xi32, #tpu.memory_space<hbm>>) dst(%dma_wait3A_346 : memref<1x128xi32, #tpu.memory_space<vmem>>)
    %dma_start3A_351 = arith.constant 1 : i32
    %dma_start3A_352 = arith.constant 0 : i32
    %dma_start3A_353 = arith.constant 1 : i32
    %dma_start3A_354 = arith.constant 1 : i32
    %dma_start3A_355 = arith.constant 0 : i32
    %dma_start3A_356 = arith.constant 0 : i32
    %dma_start3A_357 = tpu.memref_slice %arg9[%dma_start3A_353, %dma_start3A_355, %dma_start3A_356] : memref<2x128x128xf32, #tpu.memory_space<vmem>> -> memref<1x128x128xf32, #tpu.memory_space<vmem>>
    %dma_start3A_358 = tpu.memref_squeeze %dma_start3A_357 : memref<1x128x128xf32, #tpu.memory_space<vmem>> -> memref<128x128xf32, #tpu.memory_space<vmem>>
    %dma_start3A_359 = arith.constant 0 : i32
    %dma_start3A_360 = tpu.memref_slice %arg7[%dma_start3A_351, %dma_start3A_352, %dma_start3A_359] : memref<4x1x128xi32, #tpu.memory_space<vmem>> -> memref<1x1x128xi32, #tpu.memory_space<vmem>>
    %dma_start3A_361 = tpu.memref_squeeze %dma_start3A_360 : memref<1x1x128xi32, #tpu.memory_space<vmem>> -> memref<128xi32, #tpu.memory_space<vmem>>
    %dma_start3A_362 = arith.constant 0 : i32
    %dma_start3A_363 = arith.constant 0 : i32
    %dma_start3A_364 = tpu.memref_slice %arg2[%dma_start3A_362, %dma_start3A_363] : memref<10000x128xf32, #tpu.memory_space<hbm>> -> memref<10000x128xf32, #tpu.memory_space<hbm>>
    %dma_start3A_365 = tpu.memref_slice %arg16[%dma_start3A_354] : memref<2x!tpu.dma_semaphore, #tpu.memory_space<semaphore_mem>> -> memref<1x!tpu.dma_semaphore, #tpu.memory_space<semaphore_mem>>
    %dma_start3A_366 = tpu.memref_squeeze %dma_start3A_365 : memref<1x!tpu.dma_semaphore, #tpu.memory_space<semaphore_mem>> -> memref<!tpu.dma_semaphore, #tpu.memory_space<semaphore_mem>>
    tpu.enqueue_indirect_dma source(%dma_start3A_364 : memref<10000x128xf32, #tpu.memory_space<hbm>>) target(%dma_start3A_358 : memref<128x128xf32, #tpu.memory_space<vmem>>) offsets(%dma_start3A_361 : memref<128xi32, #tpu.memory_space<vmem>>) semaphore(%dma_start3A_366 : memref<!tpu.dma_semaphore, #tpu.memory_space<semaphore_mem>>)
    %eq3A = arith.constant 31 : i32
    %eq3A_367 = arith.cmpi eq, %add3A, %eq3A : i32
    %jit3A = arith.constant 82 : i32
    %jit3A_368 = arith.constant 78 : i32
    %select_n3A = arith.select %eq3A_367, %jit3A, %jit3A_368 : i32
    %jit3A_369 = arith.constant 2 : i32
    %div3A = arith.divsi %select_n3A, %jit3A_369 : i32
    %sign3A = arith.constant 0 : i32
    %sign3A_370 = arith.cmpi sgt, %select_n3A, %sign3A : i32
    %sign3A_371 = arith.extui %sign3A_370 : i1 to i32
    %sign3A_372 = arith.constant 0 : i32
    %sign3A_373 = arith.cmpi slt, %select_n3A, %sign3A_372 : i32
    %sign3A_374 = arith.extui %sign3A_373 : i1 to i32
    %sign3A_375 = arith.subi %sign3A_371, %sign3A_374 : i32
    %sign3A_376 = arith.constant 0 : i32
    %sign3A_377 = arith.cmpi sgt, %jit3A_369, %sign3A_376 : i32
    %sign3A_378 = arith.extui %sign3A_377 : i1 to i32
    %sign3A_379 = arith.constant 0 : i32
    %sign3A_380 = arith.cmpi slt, %jit3A_369, %sign3A_379 : i32
    %sign3A_381 = arith.extui %sign3A_380 : i1 to i32
    %sign3A_382 = arith.subi %sign3A_378, %sign3A_381 : i32
    %ne3A = arith.cmpi ne, %sign3A_375, %sign3A_382 : i32
    %rem3A = arith.remsi %select_n3A, %jit3A_369 : i32
    %ne3A_383 = arith.constant 0 : i32
    %ne3A_384 = arith.cmpi ne, %rem3A, %ne3A_383 : i32
    %and3A = arith.andi %ne3A, %ne3A_384 : i1
    %sub3A = arith.constant 1 : i32
    %sub3A_385 = arith.subi %div3A, %sub3A : i32
    %select_n3A_386 = arith.select %and3A, %sub3A_385, %div3A : i32
    %while3A = arith.constant 0 : i32
    %while3A_387 = arith.constant 0 : i32
    %while3A_388 = arith.subi %select_n3A_386, %while3A : i32
    %while3A_389 = arith.addi %while3A, %while3A_388 : i32
    %while3A_390 = arith.constant 1 : i32
    %while3A_391 = arith.divsi %while3A_388, %while3A_390 : i32
    %while3A_392 = arith.muli %while3A_391, %while3A_390 : i32
    %while3A_393 = arith.addi %while3A, %while3A_392 : i32
    %while3A_394 = arith.constant 1 : i32
    %while3A_395 = scf.for %while3A_419 = %while3A to %while3A_393 step %while3A_394 iter_args(%while3A_420 = %while3A_387) -> (i32)  : i32 {
      %mul3A_421 = arith.constant 2 : i32
      %mul3A_422 = arith.muli %while3A_419, %mul3A_421 : i32
      %add3A_423 = arith.constant 0 : i32
      %add3A_424 = arith.addi %mul3A_422, %add3A_423 : i32
      %rem3A_425 = arith.constant 4 : i32
      %rem3A_426 = arith.remsi %add3A_424, %rem3A_425 : i32
      %dma_wait3A_427 = arith.constant 0 : i32
      %dma_wait3A_428 = arith.constant 0 : i32
      %dma_wait3A_429 = arith.constant 0 : i32
      %dma_wait3A_430 = arith.constant 0 : i32
      %dma_wait3A_431 = arith.constant 0 : i32
      %dma_wait3A_432 = tpu.memref_slice %arg9[%dma_wait3A_428, %dma_wait3A_430, %dma_wait3A_431] : memref<2x128x128xf32, #tpu.memory_space<vmem>> -> memref<1x128x128xf32, #tpu.memory_space<vmem>>
      %dma_wait3A_433 = tpu.memref_squeeze %dma_wait3A_432 : memref<1x128x128xf32, #tpu.memory_space<vmem>> -> memref<128x128xf32, #tpu.memory_space<vmem>>
      %dma_wait3A_434 = arith.constant 0 : i32
      %dma_wait3A_435 = tpu.memref_slice %arg7[%rem3A_426, %dma_wait3A_427, %dma_wait3A_434] : memref<4x1x128xi32, #tpu.memory_space<vmem>> -> memref<1x1x128xi32, #tpu.memory_space<vmem>>
      %dma_wait3A_436 = tpu.memref_squeeze %dma_wait3A_435 : memref<1x1x128xi32, #tpu.memory_space<vmem>> -> memref<128xi32, #tpu.memory_space<vmem>>
      %dma_wait3A_437 = arith.constant 0 : i32
      %dma_wait3A_438 = arith.constant 0 : i32
      %dma_wait3A_439 = tpu.memref_slice %arg2[%dma_wait3A_437, %dma_wait3A_438] : memref<10000x128xf32, #tpu.memory_space<hbm>> -> memref<10000x128xf32, #tpu.memory_space<hbm>>
      %dma_wait3A_440 = tpu.memref_slice %arg16[%dma_wait3A_429] : memref<2x!tpu.dma_semaphore, #tpu.memory_space<semaphore_mem>> -> memref<1x!tpu.dma_semaphore, #tpu.memory_space<semaphore_mem>>
      %dma_wait3A_441 = tpu.memref_squeeze %dma_wait3A_440 : memref<1x!tpu.dma_semaphore, #tpu.memory_space<semaphore_mem>> -> memref<!tpu.dma_semaphore, #tpu.memory_space<semaphore_mem>>
      tpu.wait_indirect_dma semaphore(%dma_wait3A_441 : memref<!tpu.dma_semaphore, #tpu.memory_space<semaphore_mem>>) src(%dma_wait3A_439 : memref<10000x128xf32, #tpu.memory_space<hbm>>) dst(%dma_wait3A_433 : memref<128x128xf32, #tpu.memory_space<vmem>>)
      %dma_start3A_442 = arith.constant 0 : i32
      %dma_start3A_443 = arith.constant 0 : i32
      %dma_start3A_444 = arith.constant 0 : i32
      %dma_start3A_445 = arith.constant 0 : i32
      %dma_start3A_446 = arith.constant 0 : i32
      %dma_start3A_447 = tpu.memref_slice %arg9[%dma_start3A_442, %dma_start3A_445, %dma_start3A_446] : memref<2x128x128xf32, #tpu.memory_space<vmem>> -> memref<1x128x128xf32, #tpu.memory_space<vmem>>
      %dma_start3A_448 = tpu.memref_squeeze %dma_start3A_447 : memref<1x128x128xf32, #tpu.memory_space<vmem>> -> memref<128x128xf32, #tpu.memory_space<vmem>>
      %dma_start3A_449 = arith.constant 0 : i32
      %dma_start3A_450 = tpu.memref_slice %arg8[%rem3A_426, %dma_start3A_443, %dma_start3A_449] : memref<4x1x128xi32, #tpu.memory_space<vmem>> -> memref<1x1x128xi32, #tpu.memory_space<vmem>>
      %dma_start3A_451 = tpu.memref_squeeze %dma_start3A_450 : memref<1x1x128xi32, #tpu.memory_space<vmem>> -> memref<128xi32, #tpu.memory_space<vmem>>
      %dma_start3A_452 = arith.constant 0 : i32
      %dma_start3A_453 = arith.constant 0 : i32
      %dma_start3A_454 = tpu.memref_slice %arg13[%dma_start3A_452, %dma_start3A_453] : memref<10016x128xf32, #tpu.memory_space<vmem_shared>> -> memref<10016x128xf32, #tpu.memory_space<vmem_shared>>
      %dma_start3A_455 = tpu.memref_slice %arg17[%dma_start3A_444] : memref<2x!tpu.dma_semaphore, #tpu.memory_space<semaphore_mem>> -> memref<1x!tpu.dma_semaphore, #tpu.memory_space<semaphore_mem>>
      %dma_start3A_456 = tpu.memref_squeeze %dma_start3A_455 : memref<1x!tpu.dma_semaphore, #tpu.memory_space<semaphore_mem>> -> memref<!tpu.dma_semaphore, #tpu.memory_space<semaphore_mem>>
      tpu.enqueue_indirect_dma source(%dma_start3A_448 : memref<128x128xf32, #tpu.memory_space<vmem>>) target(%dma_start3A_454 : memref<10016x128xf32, #tpu.memory_space<vmem_shared>>) offsets(%dma_start3A_451 : memref<128xi32, #tpu.memory_space<vmem>>) semaphore(%dma_start3A_456 : memref<!tpu.dma_semaphore, #tpu.memory_space<semaphore_mem>>) {add = true}
      %dma_start3A_457 = arith.constant 0 : i32
      %dma_start3A_458 = arith.constant 0 : i32
      %dma_start3A_459 = arith.constant 0 : i32
      %dma_start3A_460 = tpu.memref_slice %arg8[%rem3A_426, %dma_start3A_457, %dma_start3A_459] : memref<4x1x128xi32, #tpu.memory_space<vmem>> -> memref<1x1x128xi32, #tpu.memory_space<vmem>>
      %dma_start3A_461 = tpu.memref_squeeze %dma_start3A_460 : memref<1x1x128xi32, #tpu.memory_space<vmem>> -> memref<128xi32, #tpu.memory_space<vmem>>
      %dma_start3A_462 = arith.constant 0 : i32
      %dma_start3A_463 = tpu.memref_slice %arg14[%dma_start3A_462] : memref<10240xf32, #tpu.memory_space<vmem_shared>> -> memref<10240xf32, #tpu.memory_space<vmem_shared>>
      %dma_start3A_464 = tpu.memref_slice %arg18[%dma_start3A_458] : memref<2x!tpu.dma_semaphore, #tpu.memory_space<semaphore_mem>> -> memref<1x!tpu.dma_semaphore, #tpu.memory_space<semaphore_mem>>
      %dma_start3A_465 = tpu.memref_squeeze %dma_start3A_464 : memref<1x!tpu.dma_semaphore, #tpu.memory_space<semaphore_mem>> -> memref<!tpu.dma_semaphore, #tpu.memory_space<semaphore_mem>>
      tpu.enqueue_indirect_dma source(%arg12 : memref<128xf32, #tpu.memory_space<vmem>>) target(%dma_start3A_463 : memref<10240xf32, #tpu.memory_space<vmem_shared>>) offsets(%dma_start3A_461 : memref<128xi32, #tpu.memory_space<vmem>>) semaphore(%dma_start3A_465 : memref<!tpu.dma_semaphore, #tpu.memory_space<semaphore_mem>>) {add = true}
      %add3A_466 = arith.constant 1 : i32
      %add3A_467 = arith.addi %mul3A_422, %add3A_466 : i32
      %rem3A_468 = arith.constant 4 : i32
      %rem3A_469 = arith.remsi %add3A_467, %rem3A_468 : i32
      %dma_wait3A_470 = arith.constant 0 : i32
      %dma_wait3A_471 = arith.constant 1 : i32
      %dma_wait3A_472 = arith.constant 1 : i32
      %dma_wait3A_473 = arith.constant 0 : i32
      %dma_wait3A_474 = arith.constant 0 : i32
      %dma_wait3A_475 = tpu.memref_slice %arg9[%dma_wait3A_471, %dma_wait3A_473, %dma_wait3A_474] : memref<2x128x128xf32, #tpu.memory_space<vmem>> -> memref<1x128x128xf32, #tpu.memory_space<vmem>>
      %dma_wait3A_476 = tpu.memref_squeeze %dma_wait3A_475 : memref<1x128x128xf32, #tpu.memory_space<vmem>> -> memref<128x128xf32, #tpu.memory_space<vmem>>
      %dma_wait3A_477 = arith.constant 0 : i32
      %dma_wait3A_478 = tpu.memref_slice %arg7[%rem3A_469, %dma_wait3A_470, %dma_wait3A_477] : memref<4x1x128xi32, #tpu.memory_space<vmem>> -> memref<1x1x128xi32, #tpu.memory_space<vmem>>
      %dma_wait3A_479 = tpu.memref_squeeze %dma_wait3A_478 : memref<1x1x128xi32, #tpu.memory_space<vmem>> -> memref<128xi32, #tpu.memory_space<vmem>>
      %dma_wait3A_480 = arith.constant 0 : i32
      %dma_wait3A_481 = arith.constant 0 : i32
      %dma_wait3A_482 = tpu.memref_slice %arg2[%dma_wait3A_480, %dma_wait3A_481] : memref<10000x128xf32, #tpu.memory_space<hbm>> -> memref<10000x128xf32, #tpu.memory_space<hbm>>
      %dma_wait3A_483 = tpu.memref_slice %arg16[%dma_wait3A_472] : memref<2x!tpu.dma_semaphore, #tpu.memory_space<semaphore_mem>> -> memref<1x!tpu.dma_semaphore, #tpu.memory_space<semaphore_mem>>
      %dma_wait3A_484 = tpu.memref_squeeze %dma_wait3A_483 : memref<1x!tpu.dma_semaphore, #tpu.memory_space<semaphore_mem>> -> memref<!tpu.dma_semaphore, #tpu.memory_space<semaphore_mem>>
      tpu.wait_indirect_dma semaphore(%dma_wait3A_484 : memref<!tpu.dma_semaphore, #tpu.memory_space<semaphore_mem>>) src(%dma_wait3A_482 : memref<10000x128xf32, #tpu.memory_space<hbm>>) dst(%dma_wait3A_476 : memref<128x128xf32, #tpu.memory_space<vmem>>)
      %dma_start3A_485 = arith.constant 1 : i32
      %dma_start3A_486 = arith.constant 0 : i32
      %dma_start3A_487 = arith.constant 1 : i32
      %dma_start3A_488 = arith.constant 0 : i32
      %dma_start3A_489 = arith.constant 0 : i32
      %dma_start3A_490 = tpu.memref_slice %arg9[%dma_start3A_485, %dma_start3A_488, %dma_start3A_489] : memref<2x128x128xf32, #tpu.memory_space<vmem>> -> memref<1x128x128xf32, #tpu.memory_space<vmem>>
      %dma_start3A_491 = tpu.memref_squeeze %dma_start3A_490 : memref<1x128x128xf32, #tpu.memory_space<vmem>> -> memref<128x128xf32, #tpu.memory_space<vmem>>
      %dma_start3A_492 = arith.constant 0 : i32
      %dma_start3A_493 = tpu.memref_slice %arg8[%rem3A_469, %dma_start3A_486, %dma_start3A_492] : memref<4x1x128xi32, #tpu.memory_space<vmem>> -> memref<1x1x128xi32, #tpu.memory_space<vmem>>
      %dma_start3A_494 = tpu.memref_squeeze %dma_start3A_493 : memref<1x1x128xi32, #tpu.memory_space<vmem>> -> memref<128xi32, #tpu.memory_space<vmem>>
      %dma_start3A_495 = arith.constant 0 : i32
      %dma_start3A_496 = arith.constant 0 : i32
      %dma_start3A_497 = tpu.memref_slice %arg13[%dma_start3A_495, %dma_start3A_496] : memref<10016x128xf32, #tpu.memory_space<vmem_shared>> -> memref<10016x128xf32, #tpu.memory_space<vmem_shared>>
      %dma_start3A_498 = tpu.memref_slice %arg17[%dma_start3A_487] : memref<2x!tpu.dma_semaphore, #tpu.memory_space<semaphore_mem>> -> memref<1x!tpu.dma_semaphore, #tpu.memory_space<semaphore_mem>>
      %dma_start3A_499 = tpu.memref_squeeze %dma_start3A_498 : memref<1x!tpu.dma_semaphore, #tpu.memory_space<semaphore_mem>> -> memref<!tpu.dma_semaphore, #tpu.memory_space<semaphore_mem>>
      tpu.enqueue_indirect_dma source(%dma_start3A_491 : memref<128x128xf32, #tpu.memory_space<vmem>>) target(%dma_start3A_497 : memref<10016x128xf32, #tpu.memory_space<vmem_shared>>) offsets(%dma_start3A_494 : memref<128xi32, #tpu.memory_space<vmem>>) semaphore(%dma_start3A_499 : memref<!tpu.dma_semaphore, #tpu.memory_space<semaphore_mem>>) {add = true}
      %dma_start3A_500 = arith.constant 0 : i32
      %dma_start3A_501 = arith.constant 1 : i32
      %dma_start3A_502 = arith.constant 0 : i32
      %dma_start3A_503 = tpu.memref_slice %arg8[%rem3A_469, %dma_start3A_500, %dma_start3A_502] : memref<4x1x128xi32, #tpu.memory_space<vmem>> -> memref<1x1x128xi32, #tpu.memory_space<vmem>>
      %dma_start3A_504 = tpu.memref_squeeze %dma_start3A_503 : memref<1x1x128xi32, #tpu.memory_space<vmem>> -> memref<128xi32, #tpu.memory_space<vmem>>
      %dma_start3A_505 = arith.constant 0 : i32
      %dma_start3A_506 = tpu.memref_slice %arg14[%dma_start3A_505] : memref<10240xf32, #tpu.memory_space<vmem_shared>> -> memref<10240xf32, #tpu.memory_space<vmem_shared>>
      %dma_start3A_507 = tpu.memref_slice %arg18[%dma_start3A_501] : memref<2x!tpu.dma_semaphore, #tpu.memory_space<semaphore_mem>> -> memref<1x!tpu.dma_semaphore, #tpu.memory_space<semaphore_mem>>
      %dma_start3A_508 = tpu.memref_squeeze %dma_start3A_507 : memref<1x!tpu.dma_semaphore, #tpu.memory_space<semaphore_mem>> -> memref<!tpu.dma_semaphore, #tpu.memory_space<semaphore_mem>>
      tpu.enqueue_indirect_dma source(%arg12 : memref<128xf32, #tpu.memory_space<vmem>>) target(%dma_start3A_506 : memref<10240xf32, #tpu.memory_space<vmem_shared>>) offsets(%dma_start3A_504 : memref<128xi32, #tpu.memory_space<vmem>>) semaphore(%dma_start3A_508 : memref<!tpu.dma_semaphore, #tpu.memory_space<semaphore_mem>>) {add = true}
      %add3A_509 = arith.constant 0 : i32
      %add3A_510 = arith.addi %mul3A_422, %add3A_509 : i32
      %rem3A_511 = arith.constant 4 : i32
      %rem3A_512 = arith.remsi %add3A_510, %rem3A_511 : i32
      %dma_wait3A_513 = arith.constant 0 : i32
      %dma_wait3A_514 = arith.constant 0 : i32
      %dma_wait3A_515 = arith.constant 0 : i32
      %dma_wait3A_516 = arith.constant 0 : i32
      %dma_wait3A_517 = arith.constant 0 : i32
      %dma_wait3A_518 = tpu.memref_slice %arg9[%dma_wait3A_513, %dma_wait3A_516, %dma_wait3A_517] : memref<2x128x128xf32, #tpu.memory_space<vmem>> -> memref<1x128x128xf32, #tpu.memory_space<vmem>>
      %dma_wait3A_519 = tpu.memref_squeeze %dma_wait3A_518 : memref<1x128x128xf32, #tpu.memory_space<vmem>> -> memref<128x128xf32, #tpu.memory_space<vmem>>
      %dma_wait3A_520 = arith.constant 0 : i32
      %dma_wait3A_521 = tpu.memref_slice %arg8[%rem3A_426, %dma_wait3A_514, %dma_wait3A_520] : memref<4x1x128xi32, #tpu.memory_space<vmem>> -> memref<1x1x128xi32, #tpu.memory_space<vmem>>
      %dma_wait3A_522 = tpu.memref_squeeze %dma_wait3A_521 : memref<1x1x128xi32, #tpu.memory_space<vmem>> -> memref<128xi32, #tpu.memory_space<vmem>>
      %dma_wait3A_523 = arith.constant 0 : i32
      %dma_wait3A_524 = arith.constant 0 : i32
      %dma_wait3A_525 = tpu.memref_slice %arg13[%dma_wait3A_523, %dma_wait3A_524] : memref<10016x128xf32, #tpu.memory_space<vmem_shared>> -> memref<10016x128xf32, #tpu.memory_space<vmem_shared>>
      %dma_wait3A_526 = tpu.memref_slice %arg17[%dma_wait3A_515] : memref<2x!tpu.dma_semaphore, #tpu.memory_space<semaphore_mem>> -> memref<1x!tpu.dma_semaphore, #tpu.memory_space<semaphore_mem>>
      %dma_wait3A_527 = tpu.memref_squeeze %dma_wait3A_526 : memref<1x!tpu.dma_semaphore, #tpu.memory_space<semaphore_mem>> -> memref<!tpu.dma_semaphore, #tpu.memory_space<semaphore_mem>>
      tpu.wait_indirect_dma semaphore(%dma_wait3A_527 : memref<!tpu.dma_semaphore, #tpu.memory_space<semaphore_mem>>) src(%dma_wait3A_519 : memref<128x128xf32, #tpu.memory_space<vmem>>) dst(%dma_wait3A_525 : memref<10016x128xf32, #tpu.memory_space<vmem_shared>>)
      %dma_wait3A_528 = arith.constant 0 : i32
      %dma_wait3A_529 = arith.constant 0 : i32
      %dma_wait3A_530 = arith.constant 0 : i32
      %dma_wait3A_531 = tpu.memref_slice %arg8[%rem3A_426, %dma_wait3A_528, %dma_wait3A_530] : memref<4x1x128xi32, #tpu.memory_space<vmem>> -> memref<1x1x128xi32, #tpu.memory_space<vmem>>
      %dma_wait3A_532 = tpu.memref_squeeze %dma_wait3A_531 : memref<1x1x128xi32, #tpu.memory_space<vmem>> -> memref<128xi32, #tpu.memory_space<vmem>>
      %dma_wait3A_533 = arith.constant 0 : i32
      %dma_wait3A_534 = tpu.memref_slice %arg14[%dma_wait3A_533] : memref<10240xf32, #tpu.memory_space<vmem_shared>> -> memref<10240xf32, #tpu.memory_space<vmem_shared>>
      %dma_wait3A_535 = tpu.memref_slice %arg18[%dma_wait3A_529] : memref<2x!tpu.dma_semaphore, #tpu.memory_space<semaphore_mem>> -> memref<1x!tpu.dma_semaphore, #tpu.memory_space<semaphore_mem>>
      %dma_wait3A_536 = tpu.memref_squeeze %dma_wait3A_535 : memref<1x!tpu.dma_semaphore, #tpu.memory_space<semaphore_mem>> -> memref<!tpu.dma_semaphore, #tpu.memory_space<semaphore_mem>>
      tpu.wait_indirect_dma semaphore(%dma_wait3A_536 : memref<!tpu.dma_semaphore, #tpu.memory_space<semaphore_mem>>) src(%arg12 : memref<128xf32, #tpu.memory_space<vmem>>) dst(%dma_wait3A_534 : memref<10240xf32, #tpu.memory_space<vmem_shared>>)
      %add3A_537 = arith.constant 4 : i32
      %add3A_538 = arith.addi %add3A_510, %add3A_537 : i32
      %lt3A_539 = arith.cmpi slt, %add3A_538, %select_n3A : i32
      %convert_element_type3A_540 = arith.extui %lt3A_539 : i1 to i32
      %cond3A_541 = arith.constant 0 : i32
      %cond3A_542 = arith.cmpi ne, %convert_element_type3A_540, %cond3A_541 : i32
      scf.if %cond3A_542 {
        %add3A_598 = arith.addi %mul3A_2, %add3A_510 : i32
        %add3A_599 = arith.constant 4 : i32
        %add3A_600 = arith.addi %add3A_598, %add3A_599 : i32
        %dma_start3A_601 = arith.constant 0 : i32
        %dma_start3A_602 = arith.constant 0 : i32
        %dma_start3A_603 = tpu.memref_slice %arg7[%rem3A_512, %dma_start3A_601, %dma_start3A_602] : memref<4x1x128xi32, #tpu.memory_space<vmem>> -> memref<1x1x128xi32, #tpu.memory_space<vmem>>
        %dma_start3A_604 = tpu.memref_squeeze %dma_start3A_603 : memref<1x1x128xi32, #tpu.memory_space<vmem>> -> memref<1x128xi32, #tpu.memory_space<vmem>>
        %dma_start3A_605 = arith.constant 0 : i32
        %dma_start3A_606 = arith.constant 0 : i32
        %dma_start3A_607 = tpu.memref_slice %arg3[%add3A_600, %dma_start3A_605, %dma_start3A_606] : memref<2500x1x128xi32, #tpu.memory_space<hbm>> -> memref<1x1x128xi32, #tpu.memory_space<hbm>>
        %dma_start3A_608 = tpu.memref_squeeze %dma_start3A_607 : memref<1x1x128xi32, #tpu.memory_space<hbm>> -> memref<1x128xi32, #tpu.memory_space<hbm>>
        %dma_start3A_609 = tpu.memref_slice %arg15[%rem3A_512] : memref<4x!tpu.dma_semaphore, #tpu.memory_space<semaphore_mem>> -> memref<1x!tpu.dma_semaphore, #tpu.memory_space<semaphore_mem>>
        %dma_start3A_610 = tpu.memref_squeeze %dma_start3A_609 : memref<1x!tpu.dma_semaphore, #tpu.memory_space<semaphore_mem>> -> memref<!tpu.dma_semaphore, #tpu.memory_space<semaphore_mem>>
        %dma_start3A_611 = arith.constant 0 : i32
        %dma_start3A_612 = arith.constant 0 : i32
        %dma_start3A_613 = tpu.memref_slice %arg7[%rem3A_512, %dma_start3A_611, %dma_start3A_612] : memref<4x1x128xi32, #tpu.memory_space<vmem>> -> memref<1x1x128xi32, #tpu.memory_space<vmem>>
        %dma_start3A_614 = tpu.memref_squeeze %dma_start3A_613 : memref<1x1x128xi32, #tpu.memory_space<vmem>> -> memref<1x128xi32, #tpu.memory_space<vmem>>
        %dma_start3A_615 = arith.constant 0 : i32
        %dma_start3A_616 = arith.constant 0 : i32
        %dma_start3A_617 = tpu.memref_slice %arg3[%add3A_600, %dma_start3A_615, %dma_start3A_616] : memref<2500x1x128xi32, #tpu.memory_space<hbm>> -> memref<1x1x128xi32, #tpu.memory_space<hbm>>
        %dma_start3A_618 = tpu.memref_squeeze %dma_start3A_617 : memref<1x1x128xi32, #tpu.memory_space<hbm>> -> memref<1x128xi32, #tpu.memory_space<hbm>>
        tpu.enqueue_dma source(%dma_start3A_618 : memref<1x128xi32, #tpu.memory_space<hbm>>) target(%dma_start3A_614 : memref<1x128xi32, #tpu.memory_space<vmem>>) target_semaphore(%dma_start3A_610 : memref<!tpu.dma_semaphore, #tpu.memory_space<semaphore_mem>>)
        %add3A_619 = arith.addi %mul3A_2, %add3A_510 : i32
        %add3A_620 = arith.constant 4 : i32
        %add3A_621 = arith.addi %add3A_619, %add3A_620 : i32
        %dma_start3A_622 = arith.constant 0 : i32
        %dma_start3A_623 = arith.constant 0 : i32
        %dma_start3A_624 = tpu.memref_slice %arg8[%rem3A_512, %dma_start3A_622, %dma_start3A_623] : memref<4x1x128xi32, #tpu.memory_space<vmem>> -> memref<1x1x128xi32, #tpu.memory_space<vmem>>
        %dma_start3A_625 = tpu.memref_squeeze %dma_start3A_624 : memref<1x1x128xi32, #tpu.memory_space<vmem>> -> memref<1x128xi32, #tpu.memory_space<vmem>>
        %dma_start3A_626 = arith.constant 0 : i32
        %dma_start3A_627 = arith.constant 0 : i32
        %dma_start3A_628 = tpu.memref_slice %arg4[%add3A_621, %dma_start3A_626, %dma_start3A_627] : memref<2500x1x128xi32, #tpu.memory_space<hbm>> -> memref<1x1x128xi32, #tpu.memory_space<hbm>>
        %dma_start3A_629 = tpu.memref_squeeze %dma_start3A_628 : memref<1x1x128xi32, #tpu.memory_space<hbm>> -> memref<1x128xi32, #tpu.memory_space<hbm>>
        %dma_start3A_630 = tpu.memref_slice %arg15[%rem3A_512] : memref<4x!tpu.dma_semaphore, #tpu.memory_space<semaphore_mem>> -> memref<1x!tpu.dma_semaphore, #tpu.memory_space<semaphore_mem>>
        %dma_start3A_631 = tpu.memref_squeeze %dma_start3A_630 : memref<1x!tpu.dma_semaphore, #tpu.memory_space<semaphore_mem>> -> memref<!tpu.dma_semaphore, #tpu.memory_space<semaphore_mem>>
        %dma_start3A_632 = arith.constant 0 : i32
        %dma_start3A_633 = arith.constant 0 : i32
        %dma_start3A_634 = tpu.memref_slice %arg8[%rem3A_512, %dma_start3A_632, %dma_start3A_633] : memref<4x1x128xi32, #tpu.memory_space<vmem>> -> memref<1x1x128xi32, #tpu.memory_space<vmem>>
        %dma_start3A_635 = tpu.memref_squeeze %dma_start3A_634 : memref<1x1x128xi32, #tpu.memory_space<vmem>> -> memref<1x128xi32, #tpu.memory_space<vmem>>
        %dma_start3A_636 = arith.constant 0 : i32
        %dma_start3A_637 = arith.constant 0 : i32
        %dma_start3A_638 = tpu.memref_slice %arg4[%add3A_621, %dma_start3A_636, %dma_start3A_637] : memref<2500x1x128xi32, #tpu.memory_space<hbm>> -> memref<1x1x128xi32, #tpu.memory_space<hbm>>
        %dma_start3A_639 = tpu.memref_squeeze %dma_start3A_638 : memref<1x1x128xi32, #tpu.memory_space<hbm>> -> memref<1x128xi32, #tpu.memory_space<hbm>>
        tpu.enqueue_dma source(%dma_start3A_639 : memref<1x128xi32, #tpu.memory_space<hbm>>) target(%dma_start3A_635 : memref<1x128xi32, #tpu.memory_space<vmem>>) target_semaphore(%dma_start3A_631 : memref<!tpu.dma_semaphore, #tpu.memory_space<semaphore_mem>>)
      } else {
      }
      %add3A_543 = arith.constant 1 : i32
      %add3A_544 = arith.addi %mul3A_422, %add3A_543 : i32
      %rem3A_545 = arith.constant 4 : i32
      %rem3A_546 = arith.remsi %add3A_544, %rem3A_545 : i32
      %dma_wait3A_547 = arith.constant 1 : i32
      %dma_wait3A_548 = arith.constant 0 : i32
      %dma_wait3A_549 = arith.constant 1 : i32
      %dma_wait3A_550 = arith.constant 0 : i32
      %dma_wait3A_551 = arith.constant 0 : i32
      %dma_wait3A_552 = tpu.memref_slice %arg9[%dma_wait3A_547, %dma_wait3A_550, %dma_wait3A_551] : memref<2x128x128xf32, #tpu.memory_space<vmem>> -> memref<1x128x128xf32, #tpu.memory_space<vmem>>
      %dma_wait3A_553 = tpu.memref_squeeze %dma_wait3A_552 : memref<1x128x128xf32, #tpu.memory_space<vmem>> -> memref<128x128xf32, #tpu.memory_space<vmem>>
      %dma_wait3A_554 = arith.constant 0 : i32
      %dma_wait3A_555 = tpu.memref_slice %arg8[%rem3A_469, %dma_wait3A_548, %dma_wait3A_554] : memref<4x1x128xi32, #tpu.memory_space<vmem>> -> memref<1x1x128xi32, #tpu.memory_space<vmem>>
      %dma_wait3A_556 = tpu.memref_squeeze %dma_wait3A_555 : memref<1x1x128xi32, #tpu.memory_space<vmem>> -> memref<128xi32, #tpu.memory_space<vmem>>
      %dma_wait3A_557 = arith.constant 0 : i32
      %dma_wait3A_558 = arith.constant 0 : i32
      %dma_wait3A_559 = tpu.memref_slice %arg13[%dma_wait3A_557, %dma_wait3A_558] : memref<10016x128xf32, #tpu.memory_space<vmem_shared>> -> memref<10016x128xf32, #tpu.memory_space<vmem_shared>>
      %dma_wait3A_560 = tpu.memref_slice %arg17[%dma_wait3A_549] : memref<2x!tpu.dma_semaphore, #tpu.memory_space<semaphore_mem>> -> memref<1x!tpu.dma_semaphore, #tpu.memory_space<semaphore_mem>>
      %dma_wait3A_561 = tpu.memref_squeeze %dma_wait3A_560 : memref<1x!tpu.dma_semaphore, #tpu.memory_space<semaphore_mem>> -> memref<!tpu.dma_semaphore, #tpu.memory_space<semaphore_mem>>
      tpu.wait_indirect_dma semaphore(%dma_wait3A_561 : memref<!tpu.dma_semaphore, #tpu.memory_space<semaphore_mem>>) src(%dma_wait3A_553 : memref<128x128xf32, #tpu.memory_space<vmem>>) dst(%dma_wait3A_559 : memref<10016x128xf32, #tpu.memory_space<vmem_shared>>)
      %dma_wait3A_562 = arith.constant 0 : i32
      %dma_wait3A_563 = arith.constant 1 : i32
      %dma_wait3A_564 = arith.constant 0 : i32
      %dma_wait3A_565 = tpu.memref_slice %arg8[%rem3A_469, %dma_wait3A_562, %dma_wait3A_564] : memref<4x1x128xi32, #tpu.memory_space<vmem>> -> memref<1x1x128xi32, #tpu.memory_space<vmem>>
      %dma_wait3A_566 = tpu.memref_squeeze %dma_wait3A_565 : memref<1x1x128xi32, #tpu.memory_space<vmem>> -> memref<128xi32, #tpu.memory_space<vmem>>
      %dma_wait3A_567 = arith.constant 0 : i32
      %dma_wait3A_568 = tpu.memref_slice %arg14[%dma_wait3A_567] : memref<10240xf32, #tpu.memory_space<vmem_shared>> -> memref<10240xf32, #tpu.memory_space<vmem_shared>>
      %dma_wait3A_569 = tpu.memref_slice %arg18[%dma_wait3A_563] : memref<2x!tpu.dma_semaphore, #tpu.memory_space<semaphore_mem>> -> memref<1x!tpu.dma_semaphore, #tpu.memory_space<semaphore_mem>>
      %dma_wait3A_570 = tpu.memref_squeeze %dma_wait3A_569 : memref<1x!tpu.dma_semaphore, #tpu.memory_space<semaphore_mem>> -> memref<!tpu.dma_semaphore, #tpu.memory_space<semaphore_mem>>
      tpu.wait_indirect_dma semaphore(%dma_wait3A_570 : memref<!tpu.dma_semaphore, #tpu.memory_space<semaphore_mem>>) src(%arg12 : memref<128xf32, #tpu.memory_space<vmem>>) dst(%dma_wait3A_568 : memref<10240xf32, #tpu.memory_space<vmem_shared>>)
      %add3A_571 = arith.constant 4 : i32
      %add3A_572 = arith.addi %add3A_544, %add3A_571 : i32
      %lt3A_573 = arith.cmpi slt, %add3A_572, %select_n3A : i32
      %convert_element_type3A_574 = arith.extui %lt3A_573 : i1 to i32
      %cond3A_575 = arith.constant 0 : i32
      %cond3A_576 = arith.cmpi ne, %convert_element_type3A_574, %cond3A_575 : i32
      scf.if %cond3A_576 {
        %add3A_598 = arith.addi %mul3A_2, %add3A_544 : i32
        %add3A_599 = arith.constant 4 : i32
        %add3A_600 = arith.addi %add3A_598, %add3A_599 : i32
        %dma_start3A_601 = arith.constant 0 : i32
        %dma_start3A_602 = arith.constant 0 : i32
        %dma_start3A_603 = tpu.memref_slice %arg7[%rem3A_546, %dma_start3A_601, %dma_start3A_602] : memref<4x1x128xi32, #tpu.memory_space<vmem>> -> memref<1x1x128xi32, #tpu.memory_space<vmem>>
        %dma_start3A_604 = tpu.memref_squeeze %dma_start3A_603 : memref<1x1x128xi32, #tpu.memory_space<vmem>> -> memref<1x128xi32, #tpu.memory_space<vmem>>
        %dma_start3A_605 = arith.constant 0 : i32
        %dma_start3A_606 = arith.constant 0 : i32
        %dma_start3A_607 = tpu.memref_slice %arg3[%add3A_600, %dma_start3A_605, %dma_start3A_606] : memref<2500x1x128xi32, #tpu.memory_space<hbm>> -> memref<1x1x128xi32, #tpu.memory_space<hbm>>
        %dma_start3A_608 = tpu.memref_squeeze %dma_start3A_607 : memref<1x1x128xi32, #tpu.memory_space<hbm>> -> memref<1x128xi32, #tpu.memory_space<hbm>>
        %dma_start3A_609 = tpu.memref_slice %arg15[%rem3A_546] : memref<4x!tpu.dma_semaphore, #tpu.memory_space<semaphore_mem>> -> memref<1x!tpu.dma_semaphore, #tpu.memory_space<semaphore_mem>>
        %dma_start3A_610 = tpu.memref_squeeze %dma_start3A_609 : memref<1x!tpu.dma_semaphore, #tpu.memory_space<semaphore_mem>> -> memref<!tpu.dma_semaphore, #tpu.memory_space<semaphore_mem>>
        %dma_start3A_611 = arith.constant 0 : i32
        %dma_start3A_612 = arith.constant 0 : i32
        %dma_start3A_613 = tpu.memref_slice %arg7[%rem3A_546, %dma_start3A_611, %dma_start3A_612] : memref<4x1x128xi32, #tpu.memory_space<vmem>> -> memref<1x1x128xi32, #tpu.memory_space<vmem>>
        %dma_start3A_614 = tpu.memref_squeeze %dma_start3A_613 : memref<1x1x128xi32, #tpu.memory_space<vmem>> -> memref<1x128xi32, #tpu.memory_space<vmem>>
        %dma_start3A_615 = arith.constant 0 : i32
        %dma_start3A_616 = arith.constant 0 : i32
        %dma_start3A_617 = tpu.memref_slice %arg3[%add3A_600, %dma_start3A_615, %dma_start3A_616] : memref<2500x1x128xi32, #tpu.memory_space<hbm>> -> memref<1x1x128xi32, #tpu.memory_space<hbm>>
        %dma_start3A_618 = tpu.memref_squeeze %dma_start3A_617 : memref<1x1x128xi32, #tpu.memory_space<hbm>> -> memref<1x128xi32, #tpu.memory_space<hbm>>
        tpu.enqueue_dma source(%dma_start3A_618 : memref<1x128xi32, #tpu.memory_space<hbm>>) target(%dma_start3A_614 : memref<1x128xi32, #tpu.memory_space<vmem>>) target_semaphore(%dma_start3A_610 : memref<!tpu.dma_semaphore, #tpu.memory_space<semaphore_mem>>)
        %add3A_619 = arith.addi %mul3A_2, %add3A_544 : i32
        %add3A_620 = arith.constant 4 : i32
        %add3A_621 = arith.addi %add3A_619, %add3A_620 : i32
        %dma_start3A_622 = arith.constant 0 : i32
        %dma_start3A_623 = arith.constant 0 : i32
        %dma_start3A_624 = tpu.memref_slice %arg8[%rem3A_546, %dma_start3A_622, %dma_start3A_623] : memref<4x1x128xi32, #tpu.memory_space<vmem>> -> memref<1x1x128xi32, #tpu.memory_space<vmem>>
        %dma_start3A_625 = tpu.memref_squeeze %dma_start3A_624 : memref<1x1x128xi32, #tpu.memory_space<vmem>> -> memref<1x128xi32, #tpu.memory_space<vmem>>
        %dma_start3A_626 = arith.constant 0 : i32
        %dma_start3A_627 = arith.constant 0 : i32
        %dma_start3A_628 = tpu.memref_slice %arg4[%add3A_621, %dma_start3A_626, %dma_start3A_627] : memref<2500x1x128xi32, #tpu.memory_space<hbm>> -> memref<1x1x128xi32, #tpu.memory_space<hbm>>
        %dma_start3A_629 = tpu.memref_squeeze %dma_start3A_628 : memref<1x1x128xi32, #tpu.memory_space<hbm>> -> memref<1x128xi32, #tpu.memory_space<hbm>>
        %dma_start3A_630 = tpu.memref_slice %arg15[%rem3A_546] : memref<4x!tpu.dma_semaphore, #tpu.memory_space<semaphore_mem>> -> memref<1x!tpu.dma_semaphore, #tpu.memory_space<semaphore_mem>>
        %dma_start3A_631 = tpu.memref_squeeze %dma_start3A_630 : memref<1x!tpu.dma_semaphore, #tpu.memory_space<semaphore_mem>> -> memref<!tpu.dma_semaphore, #tpu.memory_space<semaphore_mem>>
        %dma_start3A_632 = arith.constant 0 : i32
        %dma_start3A_633 = arith.constant 0 : i32
        %dma_start3A_634 = tpu.memref_slice %arg8[%rem3A_546, %dma_start3A_632, %dma_start3A_633] : memref<4x1x128xi32, #tpu.memory_space<vmem>> -> memref<1x1x128xi32, #tpu.memory_space<vmem>>
        %dma_start3A_635 = tpu.memref_squeeze %dma_start3A_634 : memref<1x1x128xi32, #tpu.memory_space<vmem>> -> memref<1x128xi32, #tpu.memory_space<vmem>>
        %dma_start3A_636 = arith.constant 0 : i32
        %dma_start3A_637 = arith.constant 0 : i32
        %dma_start3A_638 = tpu.memref_slice %arg4[%add3A_621, %dma_start3A_636, %dma_start3A_637] : memref<2500x1x128xi32, #tpu.memory_space<hbm>> -> memref<1x1x128xi32, #tpu.memory_space<hbm>>
        %dma_start3A_639 = tpu.memref_squeeze %dma_start3A_638 : memref<1x1x128xi32, #tpu.memory_space<hbm>> -> memref<1x128xi32, #tpu.memory_space<hbm>>
        tpu.enqueue_dma source(%dma_start3A_639 : memref<1x128xi32, #tpu.memory_space<hbm>>) target(%dma_start3A_635 : memref<1x128xi32, #tpu.memory_space<vmem>>) target_semaphore(%dma_start3A_631 : memref<!tpu.dma_semaphore, #tpu.memory_space<semaphore_mem>>)
      } else {
      }
      %add3A_577 = arith.constant 0 : i32
      %add3A_578 = arith.addi %mul3A_422, %add3A_577 : i32
      %add3A_579 = arith.constant 2 : i32
      %add3A_580 = arith.addi %add3A_578, %add3A_579 : i32
      %rem3A_581 = arith.constant 4 : i32
      %rem3A_582 = arith.remsi %add3A_580, %rem3A_581 : i32
      %lt3A_583 = arith.cmpi slt, %add3A_580, %select_n3A : i32
      %convert_element_type3A_584 = arith.extui %lt3A_583 : i1 to i32
      %cond3A_585 = arith.constant 0 : i32
      %cond3A_586 = arith.cmpi ne, %convert_element_type3A_584, %cond3A_585 : i32
      scf.if %cond3A_586 {
        %add3A_598 = arith.addi %mul3A_2, %add3A_580 : i32
        %dma_wait3A_599 = arith.constant 0 : i32
        %dma_wait3A_600 = arith.constant 0 : i32
        %dma_wait3A_601 = tpu.memref_slice %arg7[%rem3A_582, %dma_wait3A_599, %dma_wait3A_600] : memref<4x1x128xi32, #tpu.memory_space<vmem>> -> memref<1x1x128xi32, #tpu.memory_space<vmem>>
        %dma_wait3A_602 = tpu.memref_squeeze %dma_wait3A_601 : memref<1x1x128xi32, #tpu.memory_space<vmem>> -> memref<1x128xi32, #tpu.memory_space<vmem>>
        %dma_wait3A_603 = arith.constant 0 : i32
        %dma_wait3A_604 = arith.constant 0 : i32
        %dma_wait3A_605 = tpu.memref_slice %arg3[%add3A_598, %dma_wait3A_603, %dma_wait3A_604] : memref<2500x1x128xi32, #tpu.memory_space<hbm>> -> memref<1x1x128xi32, #tpu.memory_space<hbm>>
        %dma_wait3A_606 = tpu.memref_squeeze %dma_wait3A_605 : memref<1x1x128xi32, #tpu.memory_space<hbm>> -> memref<1x128xi32, #tpu.memory_space<hbm>>
        %dma_wait3A_607 = tpu.memref_slice %arg15[%rem3A_582] : memref<4x!tpu.dma_semaphore, #tpu.memory_space<semaphore_mem>> -> memref<1x!tpu.dma_semaphore, #tpu.memory_space<semaphore_mem>>
        %dma_wait3A_608 = tpu.memref_squeeze %dma_wait3A_607 : memref<1x!tpu.dma_semaphore, #tpu.memory_space<semaphore_mem>> -> memref<!tpu.dma_semaphore, #tpu.memory_space<semaphore_mem>>
        %dma_wait3A_609 = arith.constant 0 : i32
        %dma_wait3A_610 = arith.constant 0 : i32
        %dma_wait3A_611 = tpu.memref_slice %arg7[%rem3A_582, %dma_wait3A_609, %dma_wait3A_610] : memref<4x1x128xi32, #tpu.memory_space<vmem>> -> memref<1x1x128xi32, #tpu.memory_space<vmem>>
        %dma_wait3A_612 = tpu.memref_squeeze %dma_wait3A_611 : memref<1x1x128xi32, #tpu.memory_space<vmem>> -> memref<1x128xi32, #tpu.memory_space<vmem>>
        %dma_wait3A_613 = arith.constant 0 : i32
        %dma_wait3A_614 = arith.constant 0 : i32
        %dma_wait3A_615 = tpu.memref_slice %arg3[%add3A_598, %dma_wait3A_613, %dma_wait3A_614] : memref<2500x1x128xi32, #tpu.memory_space<hbm>> -> memref<1x1x128xi32, #tpu.memory_space<hbm>>
        %dma_wait3A_616 = tpu.memref_squeeze %dma_wait3A_615 : memref<1x1x128xi32, #tpu.memory_space<hbm>> -> memref<1x128xi32, #tpu.memory_space<hbm>>
        tpu.wait_dma2 semaphore(%dma_wait3A_608 : memref<!tpu.dma_semaphore, #tpu.memory_space<semaphore_mem>>) src(%dma_wait3A_616 : memref<1x128xi32, #tpu.memory_space<hbm>>) dst(%dma_wait3A_612 : memref<1x128xi32, #tpu.memory_space<vmem>>)
        %add3A_617 = arith.addi %mul3A_2, %add3A_580 : i32
        %dma_wait3A_618 = arith.constant 0 : i32
        %dma_wait3A_619 = arith.constant 0 : i32
        %dma_wait3A_620 = tpu.memref_slice %arg8[%rem3A_582, %dma_wait3A_618, %dma_wait3A_619] : memref<4x1x128xi32, #tpu.memory_space<vmem>> -> memref<1x1x128xi32, #tpu.memory_space<vmem>>
        %dma_wait3A_621 = tpu.memref_squeeze %dma_wait3A_620 : memref<1x1x128xi32, #tpu.memory_space<vmem>> -> memref<1x128xi32, #tpu.memory_space<vmem>>
        %dma_wait3A_622 = arith.constant 0 : i32
        %dma_wait3A_623 = arith.constant 0 : i32
        %dma_wait3A_624 = tpu.memref_slice %arg4[%add3A_617, %dma_wait3A_622, %dma_wait3A_623] : memref<2500x1x128xi32, #tpu.memory_space<hbm>> -> memref<1x1x128xi32, #tpu.memory_space<hbm>>
        %dma_wait3A_625 = tpu.memref_squeeze %dma_wait3A_624 : memref<1x1x128xi32, #tpu.memory_space<hbm>> -> memref<1x128xi32, #tpu.memory_space<hbm>>
        %dma_wait3A_626 = tpu.memref_slice %arg15[%rem3A_582] : memref<4x!tpu.dma_semaphore, #tpu.memory_space<semaphore_mem>> -> memref<1x!tpu.dma_semaphore, #tpu.memory_space<semaphore_mem>>
        %dma_wait3A_627 = tpu.memref_squeeze %dma_wait3A_626 : memref<1x!tpu.dma_semaphore, #tpu.memory_space<semaphore_mem>> -> memref<!tpu.dma_semaphore, #tpu.memory_space<semaphore_mem>>
        %dma_wait3A_628 = arith.constant 0 : i32
        %dma_wait3A_629 = arith.constant 0 : i32
        %dma_wait3A_630 = tpu.memref_slice %arg8[%rem3A_582, %dma_wait3A_628, %dma_wait3A_629] : memref<4x1x128xi32, #tpu.memory_space<vmem>> -> memref<1x1x128xi32, #tpu.memory_space<vmem>>
        %dma_wait3A_631 = tpu.memref_squeeze %dma_wait3A_630 : memref<1x1x128xi32, #tpu.memory_space<vmem>> -> memref<1x128xi32, #tpu.memory_space<vmem>>
        %dma_wait3A_632 = arith.constant 0 : i32
        %dma_wait3A_633 = arith.constant 0 : i32
        %dma_wait3A_634 = tpu.memref_slice %arg4[%add3A_617, %dma_wait3A_632, %dma_wait3A_633] : memref<2500x1x128xi32, #tpu.memory_space<hbm>> -> memref<1x1x128xi32, #tpu.memory_space<hbm>>
        %dma_wait3A_635 = tpu.memref_squeeze %dma_wait3A_634 : memref<1x1x128xi32, #tpu.memory_space<hbm>> -> memref<1x128xi32, #tpu.memory_space<hbm>>
        tpu.wait_dma2 semaphore(%dma_wait3A_627 : memref<!tpu.dma_semaphore, #tpu.memory_space<semaphore_mem>>) src(%dma_wait3A_635 : memref<1x128xi32, #tpu.memory_space<hbm>>) dst(%dma_wait3A_631 : memref<1x128xi32, #tpu.memory_space<vmem>>)
        %dma_start3A_636 = arith.constant 0 : i32
        %dma_start3A_637 = arith.constant 0 : i32
        %dma_start3A_638 = arith.constant 0 : i32
        %dma_start3A_639 = arith.constant 0 : i32
        %dma_start3A_640 = arith.constant 0 : i32
        %dma_start3A_641 = tpu.memref_slice %arg9[%dma_start3A_637, %dma_start3A_639, %dma_start3A_640] : memref<2x128x128xf32, #tpu.memory_space<vmem>> -> memref<1x128x128xf32, #tpu.memory_space<vmem>>
        %dma_start3A_642 = tpu.memref_squeeze %dma_start3A_641 : memref<1x128x128xf32, #tpu.memory_space<vmem>> -> memref<128x128xf32, #tpu.memory_space<vmem>>
        %dma_start3A_643 = arith.constant 0 : i32
        %dma_start3A_644 = tpu.memref_slice %arg7[%rem3A_582, %dma_start3A_636, %dma_start3A_643] : memref<4x1x128xi32, #tpu.memory_space<vmem>> -> memref<1x1x128xi32, #tpu.memory_space<vmem>>
        %dma_start3A_645 = tpu.memref_squeeze %dma_start3A_644 : memref<1x1x128xi32, #tpu.memory_space<vmem>> -> memref<128xi32, #tpu.memory_space<vmem>>
        %dma_start3A_646 = arith.constant 0 : i32
        %dma_start3A_647 = arith.constant 0 : i32
        %dma_start3A_648 = tpu.memref_slice %arg2[%dma_start3A_646, %dma_start3A_647] : memref<10000x128xf32, #tpu.memory_space<hbm>> -> memref<10000x128xf32, #tpu.memory_space<hbm>>
        %dma_start3A_649 = tpu.memref_slice %arg16[%dma_start3A_638] : memref<2x!tpu.dma_semaphore, #tpu.memory_space<semaphore_mem>> -> memref<1x!tpu.dma_semaphore, #tpu.memory_space<semaphore_mem>>
        %dma_start3A_650 = tpu.memref_squeeze %dma_start3A_649 : memref<1x!tpu.dma_semaphore, #tpu.memory_space<semaphore_mem>> -> memref<!tpu.dma_semaphore, #tpu.memory_space<semaphore_mem>>
        tpu.enqueue_indirect_dma source(%dma_start3A_648 : memref<10000x128xf32, #tpu.memory_space<hbm>>) target(%dma_start3A_642 : memref<128x128xf32, #tpu.memory_space<vmem>>) offsets(%dma_start3A_645 : memref<128xi32, #tpu.memory_space<vmem>>) semaphore(%dma_start3A_650 : memref<!tpu.dma_semaphore, #tpu.memory_space<semaphore_mem>>)
      } else {
      }
      %add3A_587 = arith.constant 1 : i32
      %add3A_588 = arith.addi %mul3A_422, %add3A_587 : i32
      %add3A_589 = arith.constant 2 : i32
      %add3A_590 = arith.addi %add3A_588, %add3A_589 : i32
      %rem3A_591 = arith.constant 4 : i32
      %rem3A_592 = arith.remsi %add3A_590, %rem3A_591 : i32
      %lt3A_593 = arith.cmpi slt, %add3A_590, %select_n3A : i32
      %convert_element_type3A_594 = arith.extui %lt3A_593 : i1 to i32
      %cond3A_595 = arith.constant 0 : i32
      %cond3A_596 = arith.cmpi ne, %convert_element_type3A_594, %cond3A_595 : i32
      scf.if %cond3A_596 {
        %add3A_598 = arith.addi %mul3A_2, %add3A_590 : i32
        %dma_wait3A_599 = arith.constant 0 : i32
        %dma_wait3A_600 = arith.constant 0 : i32
        %dma_wait3A_601 = tpu.memref_slice %arg7[%rem3A_592, %dma_wait3A_599, %dma_wait3A_600] : memref<4x1x128xi32, #tpu.memory_space<vmem>> -> memref<1x1x128xi32, #tpu.memory_space<vmem>>
        %dma_wait3A_602 = tpu.memref_squeeze %dma_wait3A_601 : memref<1x1x128xi32, #tpu.memory_space<vmem>> -> memref<1x128xi32, #tpu.memory_space<vmem>>
        %dma_wait3A_603 = arith.constant 0 : i32
        %dma_wait3A_604 = arith.constant 0 : i32
        %dma_wait3A_605 = tpu.memref_slice %arg3[%add3A_598, %dma_wait3A_603, %dma_wait3A_604] : memref<2500x1x128xi32, #tpu.memory_space<hbm>> -> memref<1x1x128xi32, #tpu.memory_space<hbm>>
        %dma_wait3A_606 = tpu.memref_squeeze %dma_wait3A_605 : memref<1x1x128xi32, #tpu.memory_space<hbm>> -> memref<1x128xi32, #tpu.memory_space<hbm>>
        %dma_wait3A_607 = tpu.memref_slice %arg15[%rem3A_592] : memref<4x!tpu.dma_semaphore, #tpu.memory_space<semaphore_mem>> -> memref<1x!tpu.dma_semaphore, #tpu.memory_space<semaphore_mem>>
        %dma_wait3A_608 = tpu.memref_squeeze %dma_wait3A_607 : memref<1x!tpu.dma_semaphore, #tpu.memory_space<semaphore_mem>> -> memref<!tpu.dma_semaphore, #tpu.memory_space<semaphore_mem>>
        %dma_wait3A_609 = arith.constant 0 : i32
        %dma_wait3A_610 = arith.constant 0 : i32
        %dma_wait3A_611 = tpu.memref_slice %arg7[%rem3A_592, %dma_wait3A_609, %dma_wait3A_610] : memref<4x1x128xi32, #tpu.memory_space<vmem>> -> memref<1x1x128xi32, #tpu.memory_space<vmem>>
        %dma_wait3A_612 = tpu.memref_squeeze %dma_wait3A_611 : memref<1x1x128xi32, #tpu.memory_space<vmem>> -> memref<1x128xi32, #tpu.memory_space<vmem>>
        %dma_wait3A_613 = arith.constant 0 : i32
        %dma_wait3A_614 = arith.constant 0 : i32
        %dma_wait3A_615 = tpu.memref_slice %arg3[%add3A_598, %dma_wait3A_613, %dma_wait3A_614] : memref<2500x1x128xi32, #tpu.memory_space<hbm>> -> memref<1x1x128xi32, #tpu.memory_space<hbm>>
        %dma_wait3A_616 = tpu.memref_squeeze %dma_wait3A_615 : memref<1x1x128xi32, #tpu.memory_space<hbm>> -> memref<1x128xi32, #tpu.memory_space<hbm>>
        tpu.wait_dma2 semaphore(%dma_wait3A_608 : memref<!tpu.dma_semaphore, #tpu.memory_space<semaphore_mem>>) src(%dma_wait3A_616 : memref<1x128xi32, #tpu.memory_space<hbm>>) dst(%dma_wait3A_612 : memref<1x128xi32, #tpu.memory_space<vmem>>)
        %add3A_617 = arith.addi %mul3A_2, %add3A_590 : i32
        %dma_wait3A_618 = arith.constant 0 : i32
        %dma_wait3A_619 = arith.constant 0 : i32
        %dma_wait3A_620 = tpu.memref_slice %arg8[%rem3A_592, %dma_wait3A_618, %dma_wait3A_619] : memref<4x1x128xi32, #tpu.memory_space<vmem>> -> memref<1x1x128xi32, #tpu.memory_space<vmem>>
        %dma_wait3A_621 = tpu.memref_squeeze %dma_wait3A_620 : memref<1x1x128xi32, #tpu.memory_space<vmem>> -> memref<1x128xi32, #tpu.memory_space<vmem>>
        %dma_wait3A_622 = arith.constant 0 : i32
        %dma_wait3A_623 = arith.constant 0 : i32
        %dma_wait3A_624 = tpu.memref_slice %arg4[%add3A_617, %dma_wait3A_622, %dma_wait3A_623] : memref<2500x1x128xi32, #tpu.memory_space<hbm>> -> memref<1x1x128xi32, #tpu.memory_space<hbm>>
        %dma_wait3A_625 = tpu.memref_squeeze %dma_wait3A_624 : memref<1x1x128xi32, #tpu.memory_space<hbm>> -> memref<1x128xi32, #tpu.memory_space<hbm>>
        %dma_wait3A_626 = tpu.memref_slice %arg15[%rem3A_592] : memref<4x!tpu.dma_semaphore, #tpu.memory_space<semaphore_mem>> -> memref<1x!tpu.dma_semaphore, #tpu.memory_space<semaphore_mem>>
        %dma_wait3A_627 = tpu.memref_squeeze %dma_wait3A_626 : memref<1x!tpu.dma_semaphore, #tpu.memory_space<semaphore_mem>> -> memref<!tpu.dma_semaphore, #tpu.memory_space<semaphore_mem>>
        %dma_wait3A_628 = arith.constant 0 : i32
        %dma_wait3A_629 = arith.constant 0 : i32
        %dma_wait3A_630 = tpu.memref_slice %arg8[%rem3A_592, %dma_wait3A_628, %dma_wait3A_629] : memref<4x1x128xi32, #tpu.memory_space<vmem>> -> memref<1x1x128xi32, #tpu.memory_space<vmem>>
        %dma_wait3A_631 = tpu.memref_squeeze %dma_wait3A_630 : memref<1x1x128xi32, #tpu.memory_space<vmem>> -> memref<1x128xi32, #tpu.memory_space<vmem>>
        %dma_wait3A_632 = arith.constant 0 : i32
        %dma_wait3A_633 = arith.constant 0 : i32
        %dma_wait3A_634 = tpu.memref_slice %arg4[%add3A_617, %dma_wait3A_632, %dma_wait3A_633] : memref<2500x1x128xi32, #tpu.memory_space<hbm>> -> memref<1x1x128xi32, #tpu.memory_space<hbm>>
        %dma_wait3A_635 = tpu.memref_squeeze %dma_wait3A_634 : memref<1x1x128xi32, #tpu.memory_space<hbm>> -> memref<1x128xi32, #tpu.memory_space<hbm>>
        tpu.wait_dma2 semaphore(%dma_wait3A_627 : memref<!tpu.dma_semaphore, #tpu.memory_space<semaphore_mem>>) src(%dma_wait3A_635 : memref<1x128xi32, #tpu.memory_space<hbm>>) dst(%dma_wait3A_631 : memref<1x128xi32, #tpu.memory_space<vmem>>)
        %dma_start3A_636 = arith.constant 0 : i32
        %dma_start3A_637 = arith.constant 1 : i32
        %dma_start3A_638 = arith.constant 1 : i32
        %dma_start3A_639 = arith.constant 0 : i32
        %dma_start3A_640 = arith.constant 0 : i32
        %dma_start3A_641 = tpu.memref_slice %arg9[%dma_start3A_637, %dma_start3A_639, %dma_start3A_640] : memref<2x128x128xf32, #tpu.memory_space<vmem>> -> memref<1x128x128xf32, #tpu.memory_space<vmem>>
        %dma_start3A_642 = tpu.memref_squeeze %dma_start3A_641 : memref<1x128x128xf32, #tpu.memory_space<vmem>> -> memref<128x128xf32, #tpu.memory_space<vmem>>
        %dma_start3A_643 = arith.constant 0 : i32
        %dma_start3A_644 = tpu.memref_slice %arg7[%rem3A_592, %dma_start3A_636, %dma_start3A_643] : memref<4x1x128xi32, #tpu.memory_space<vmem>> -> memref<1x1x128xi32, #tpu.memory_space<vmem>>
        %dma_start3A_645 = tpu.memref_squeeze %dma_start3A_644 : memref<1x1x128xi32, #tpu.memory_space<vmem>> -> memref<128xi32, #tpu.memory_space<vmem>>
        %dma_start3A_646 = arith.constant 0 : i32
        %dma_start3A_647 = arith.constant 0 : i32
        %dma_start3A_648 = tpu.memref_slice %arg2[%dma_start3A_646, %dma_start3A_647] : memref<10000x128xf32, #tpu.memory_space<hbm>> -> memref<10000x128xf32, #tpu.memory_space<hbm>>
        %dma_start3A_649 = tpu.memref_slice %arg16[%dma_start3A_638] : memref<2x!tpu.dma_semaphore, #tpu.memory_space<semaphore_mem>> -> memref<1x!tpu.dma_semaphore, #tpu.memory_space<semaphore_mem>>
        %dma_start3A_650 = tpu.memref_squeeze %dma_start3A_649 : memref<1x!tpu.dma_semaphore, #tpu.memory_space<semaphore_mem>> -> memref<!tpu.dma_semaphore, #tpu.memory_space<semaphore_mem>>
        tpu.enqueue_indirect_dma source(%dma_start3A_648 : memref<10000x128xf32, #tpu.memory_space<hbm>>) target(%dma_start3A_642 : memref<128x128xf32, #tpu.memory_space<vmem>>) offsets(%dma_start3A_645 : memref<128xi32, #tpu.memory_space<vmem>>) semaphore(%dma_start3A_650 : memref<!tpu.dma_semaphore, #tpu.memory_space<semaphore_mem>>)
      } else {
      }
      %while3A_597 = arith.constant 0 : i32
      scf.yield %while3A_597 : i32
    }
    %while3A_396 = arith.constant 1 : i32
    %while3A_397 = scf.for %while3A_419 = %while3A_393 to %while3A_389 step %while3A_396 iter_args(%while3A_420 = %while3A_395) -> (i32)  : i32 {
      %mul3A_421 = arith.constant 2 : i32
      %mul3A_422 = arith.muli %while3A_419, %mul3A_421 : i32
      %add3A_423 = arith.constant 0 : i32
      %add3A_424 = arith.addi %mul3A_422, %add3A_423 : i32
      %rem3A_425 = arith.constant 4 : i32
      %rem3A_426 = arith.remsi %add3A_424, %rem3A_425 : i32
      %dma_wait3A_427 = arith.constant 0 : i32
      %dma_wait3A_428 = arith.constant 0 : i32
      %dma_wait3A_429 = arith.constant 0 : i32
      %dma_wait3A_430 = arith.constant 0 : i32
      %dma_wait3A_431 = arith.constant 0 : i32
      %dma_wait3A_432 = tpu.memref_slice %arg9[%dma_wait3A_428, %dma_wait3A_430, %dma_wait3A_431] : memref<2x128x128xf32, #tpu.memory_space<vmem>> -> memref<1x128x128xf32, #tpu.memory_space<vmem>>
      %dma_wait3A_433 = tpu.memref_squeeze %dma_wait3A_432 : memref<1x128x128xf32, #tpu.memory_space<vmem>> -> memref<128x128xf32, #tpu.memory_space<vmem>>
      %dma_wait3A_434 = arith.constant 0 : i32
      %dma_wait3A_435 = tpu.memref_slice %arg7[%rem3A_426, %dma_wait3A_427, %dma_wait3A_434] : memref<4x1x128xi32, #tpu.memory_space<vmem>> -> memref<1x1x128xi32, #tpu.memory_space<vmem>>
      %dma_wait3A_436 = tpu.memref_squeeze %dma_wait3A_435 : memref<1x1x128xi32, #tpu.memory_space<vmem>> -> memref<128xi32, #tpu.memory_space<vmem>>
      %dma_wait3A_437 = arith.constant 0 : i32
      %dma_wait3A_438 = arith.constant 0 : i32
      %dma_wait3A_439 = tpu.memref_slice %arg2[%dma_wait3A_437, %dma_wait3A_438] : memref<10000x128xf32, #tpu.memory_space<hbm>> -> memref<10000x128xf32, #tpu.memory_space<hbm>>
      %dma_wait3A_440 = tpu.memref_slice %arg16[%dma_wait3A_429] : memref<2x!tpu.dma_semaphore, #tpu.memory_space<semaphore_mem>> -> memref<1x!tpu.dma_semaphore, #tpu.memory_space<semaphore_mem>>
      %dma_wait3A_441 = tpu.memref_squeeze %dma_wait3A_440 : memref<1x!tpu.dma_semaphore, #tpu.memory_space<semaphore_mem>> -> memref<!tpu.dma_semaphore, #tpu.memory_space<semaphore_mem>>
      tpu.wait_indirect_dma semaphore(%dma_wait3A_441 : memref<!tpu.dma_semaphore, #tpu.memory_space<semaphore_mem>>) src(%dma_wait3A_439 : memref<10000x128xf32, #tpu.memory_space<hbm>>) dst(%dma_wait3A_433 : memref<128x128xf32, #tpu.memory_space<vmem>>)
      %dma_start3A_442 = arith.constant 0 : i32
      %dma_start3A_443 = arith.constant 0 : i32
      %dma_start3A_444 = arith.constant 0 : i32
      %dma_start3A_445 = arith.constant 0 : i32
      %dma_start3A_446 = arith.constant 0 : i32
      %dma_start3A_447 = tpu.memref_slice %arg9[%dma_start3A_442, %dma_start3A_445, %dma_start3A_446] : memref<2x128x128xf32, #tpu.memory_space<vmem>> -> memref<1x128x128xf32, #tpu.memory_space<vmem>>
      %dma_start3A_448 = tpu.memref_squeeze %dma_start3A_447 : memref<1x128x128xf32, #tpu.memory_space<vmem>> -> memref<128x128xf32, #tpu.memory_space<vmem>>
      %dma_start3A_449 = arith.constant 0 : i32
      %dma_start3A_450 = tpu.memref_slice %arg8[%rem3A_426, %dma_start3A_443, %dma_start3A_449] : memref<4x1x128xi32, #tpu.memory_space<vmem>> -> memref<1x1x128xi32, #tpu.memory_space<vmem>>
      %dma_start3A_451 = tpu.memref_squeeze %dma_start3A_450 : memref<1x1x128xi32, #tpu.memory_space<vmem>> -> memref<128xi32, #tpu.memory_space<vmem>>
      %dma_start3A_452 = arith.constant 0 : i32
      %dma_start3A_453 = arith.constant 0 : i32
      %dma_start3A_454 = tpu.memref_slice %arg13[%dma_start3A_452, %dma_start3A_453] : memref<10016x128xf32, #tpu.memory_space<vmem_shared>> -> memref<10016x128xf32, #tpu.memory_space<vmem_shared>>
      %dma_start3A_455 = tpu.memref_slice %arg17[%dma_start3A_444] : memref<2x!tpu.dma_semaphore, #tpu.memory_space<semaphore_mem>> -> memref<1x!tpu.dma_semaphore, #tpu.memory_space<semaphore_mem>>
      %dma_start3A_456 = tpu.memref_squeeze %dma_start3A_455 : memref<1x!tpu.dma_semaphore, #tpu.memory_space<semaphore_mem>> -> memref<!tpu.dma_semaphore, #tpu.memory_space<semaphore_mem>>
      tpu.enqueue_indirect_dma source(%dma_start3A_448 : memref<128x128xf32, #tpu.memory_space<vmem>>) target(%dma_start3A_454 : memref<10016x128xf32, #tpu.memory_space<vmem_shared>>) offsets(%dma_start3A_451 : memref<128xi32, #tpu.memory_space<vmem>>) semaphore(%dma_start3A_456 : memref<!tpu.dma_semaphore, #tpu.memory_space<semaphore_mem>>) {add = true}
      %dma_start3A_457 = arith.constant 0 : i32
      %dma_start3A_458 = arith.constant 0 : i32
      %dma_start3A_459 = arith.constant 0 : i32
      %dma_start3A_460 = tpu.memref_slice %arg8[%rem3A_426, %dma_start3A_457, %dma_start3A_459] : memref<4x1x128xi32, #tpu.memory_space<vmem>> -> memref<1x1x128xi32, #tpu.memory_space<vmem>>
      %dma_start3A_461 = tpu.memref_squeeze %dma_start3A_460 : memref<1x1x128xi32, #tpu.memory_space<vmem>> -> memref<128xi32, #tpu.memory_space<vmem>>
      %dma_start3A_462 = arith.constant 0 : i32
      %dma_start3A_463 = tpu.memref_slice %arg14[%dma_start3A_462] : memref<10240xf32, #tpu.memory_space<vmem_shared>> -> memref<10240xf32, #tpu.memory_space<vmem_shared>>
      %dma_start3A_464 = tpu.memref_slice %arg18[%dma_start3A_458] : memref<2x!tpu.dma_semaphore, #tpu.memory_space<semaphore_mem>> -> memref<1x!tpu.dma_semaphore, #tpu.memory_space<semaphore_mem>>
      %dma_start3A_465 = tpu.memref_squeeze %dma_start3A_464 : memref<1x!tpu.dma_semaphore, #tpu.memory_space<semaphore_mem>> -> memref<!tpu.dma_semaphore, #tpu.memory_space<semaphore_mem>>
      tpu.enqueue_indirect_dma source(%arg12 : memref<128xf32, #tpu.memory_space<vmem>>) target(%dma_start3A_463 : memref<10240xf32, #tpu.memory_space<vmem_shared>>) offsets(%dma_start3A_461 : memref<128xi32, #tpu.memory_space<vmem>>) semaphore(%dma_start3A_465 : memref<!tpu.dma_semaphore, #tpu.memory_space<semaphore_mem>>) {add = true}
      %add3A_466 = arith.constant 1 : i32
      %add3A_467 = arith.addi %mul3A_422, %add3A_466 : i32
      %rem3A_468 = arith.constant 4 : i32
      %rem3A_469 = arith.remsi %add3A_467, %rem3A_468 : i32
      %dma_wait3A_470 = arith.constant 0 : i32
      %dma_wait3A_471 = arith.constant 1 : i32
      %dma_wait3A_472 = arith.constant 1 : i32
      %dma_wait3A_473 = arith.constant 0 : i32
      %dma_wait3A_474 = arith.constant 0 : i32
      %dma_wait3A_475 = tpu.memref_slice %arg9[%dma_wait3A_471, %dma_wait3A_473, %dma_wait3A_474] : memref<2x128x128xf32, #tpu.memory_space<vmem>> -> memref<1x128x128xf32, #tpu.memory_space<vmem>>
      %dma_wait3A_476 = tpu.memref_squeeze %dma_wait3A_475 : memref<1x128x128xf32, #tpu.memory_space<vmem>> -> memref<128x128xf32, #tpu.memory_space<vmem>>
      %dma_wait3A_477 = arith.constant 0 : i32
      %dma_wait3A_478 = tpu.memref_slice %arg7[%rem3A_469, %dma_wait3A_470, %dma_wait3A_477] : memref<4x1x128xi32, #tpu.memory_space<vmem>> -> memref<1x1x128xi32, #tpu.memory_space<vmem>>
      %dma_wait3A_479 = tpu.memref_squeeze %dma_wait3A_478 : memref<1x1x128xi32, #tpu.memory_space<vmem>> -> memref<128xi32, #tpu.memory_space<vmem>>
      %dma_wait3A_480 = arith.constant 0 : i32
      %dma_wait3A_481 = arith.constant 0 : i32
      %dma_wait3A_482 = tpu.memref_slice %arg2[%dma_wait3A_480, %dma_wait3A_481] : memref<10000x128xf32, #tpu.memory_space<hbm>> -> memref<10000x128xf32, #tpu.memory_space<hbm>>
      %dma_wait3A_483 = tpu.memref_slice %arg16[%dma_wait3A_472] : memref<2x!tpu.dma_semaphore, #tpu.memory_space<semaphore_mem>> -> memref<1x!tpu.dma_semaphore, #tpu.memory_space<semaphore_mem>>
      %dma_wait3A_484 = tpu.memref_squeeze %dma_wait3A_483 : memref<1x!tpu.dma_semaphore, #tpu.memory_space<semaphore_mem>> -> memref<!tpu.dma_semaphore, #tpu.memory_space<semaphore_mem>>
      tpu.wait_indirect_dma semaphore(%dma_wait3A_484 : memref<!tpu.dma_semaphore, #tpu.memory_space<semaphore_mem>>) src(%dma_wait3A_482 : memref<10000x128xf32, #tpu.memory_space<hbm>>) dst(%dma_wait3A_476 : memref<128x128xf32, #tpu.memory_space<vmem>>)
      %dma_start3A_485 = arith.constant 1 : i32
      %dma_start3A_486 = arith.constant 0 : i32
      %dma_start3A_487 = arith.constant 1 : i32
      %dma_start3A_488 = arith.constant 0 : i32
      %dma_start3A_489 = arith.constant 0 : i32
      %dma_start3A_490 = tpu.memref_slice %arg9[%dma_start3A_485, %dma_start3A_488, %dma_start3A_489] : memref<2x128x128xf32, #tpu.memory_space<vmem>> -> memref<1x128x128xf32, #tpu.memory_space<vmem>>
      %dma_start3A_491 = tpu.memref_squeeze %dma_start3A_490 : memref<1x128x128xf32, #tpu.memory_space<vmem>> -> memref<128x128xf32, #tpu.memory_space<vmem>>
      %dma_start3A_492 = arith.constant 0 : i32
      %dma_start3A_493 = tpu.memref_slice %arg8[%rem3A_469, %dma_start3A_486, %dma_start3A_492] : memref<4x1x128xi32, #tpu.memory_space<vmem>> -> memref<1x1x128xi32, #tpu.memory_space<vmem>>
      %dma_start3A_494 = tpu.memref_squeeze %dma_start3A_493 : memref<1x1x128xi32, #tpu.memory_space<vmem>> -> memref<128xi32, #tpu.memory_space<vmem>>
      %dma_start3A_495 = arith.constant 0 : i32
      %dma_start3A_496 = arith.constant 0 : i32
      %dma_start3A_497 = tpu.memref_slice %arg13[%dma_start3A_495, %dma_start3A_496] : memref<10016x128xf32, #tpu.memory_space<vmem_shared>> -> memref<10016x128xf32, #tpu.memory_space<vmem_shared>>
      %dma_start3A_498 = tpu.memref_slice %arg17[%dma_start3A_487] : memref<2x!tpu.dma_semaphore, #tpu.memory_space<semaphore_mem>> -> memref<1x!tpu.dma_semaphore, #tpu.memory_space<semaphore_mem>>
      %dma_start3A_499 = tpu.memref_squeeze %dma_start3A_498 : memref<1x!tpu.dma_semaphore, #tpu.memory_space<semaphore_mem>> -> memref<!tpu.dma_semaphore, #tpu.memory_space<semaphore_mem>>
      tpu.enqueue_indirect_dma source(%dma_start3A_491 : memref<128x128xf32, #tpu.memory_space<vmem>>) target(%dma_start3A_497 : memref<10016x128xf32, #tpu.memory_space<vmem_shared>>) offsets(%dma_start3A_494 : memref<128xi32, #tpu.memory_space<vmem>>) semaphore(%dma_start3A_499 : memref<!tpu.dma_semaphore, #tpu.memory_space<semaphore_mem>>) {add = true}
      %dma_start3A_500 = arith.constant 0 : i32
      %dma_start3A_501 = arith.constant 1 : i32
      %dma_start3A_502 = arith.constant 0 : i32
      %dma_start3A_503 = tpu.memref_slice %arg8[%rem3A_469, %dma_start3A_500, %dma_start3A_502] : memref<4x1x128xi32, #tpu.memory_space<vmem>> -> memref<1x1x128xi32, #tpu.memory_space<vmem>>
      %dma_start3A_504 = tpu.memref_squeeze %dma_start3A_503 : memref<1x1x128xi32, #tpu.memory_space<vmem>> -> memref<128xi32, #tpu.memory_space<vmem>>
      %dma_start3A_505 = arith.constant 0 : i32
      %dma_start3A_506 = tpu.memref_slice %arg14[%dma_start3A_505] : memref<10240xf32, #tpu.memory_space<vmem_shared>> -> memref<10240xf32, #tpu.memory_space<vmem_shared>>
      %dma_start3A_507 = tpu.memref_slice %arg18[%dma_start3A_501] : memref<2x!tpu.dma_semaphore, #tpu.memory_space<semaphore_mem>> -> memref<1x!tpu.dma_semaphore, #tpu.memory_space<semaphore_mem>>
      %dma_start3A_508 = tpu.memref_squeeze %dma_start3A_507 : memref<1x!tpu.dma_semaphore, #tpu.memory_space<semaphore_mem>> -> memref<!tpu.dma_semaphore, #tpu.memory_space<semaphore_mem>>
      tpu.enqueue_indirect_dma source(%arg12 : memref<128xf32, #tpu.memory_space<vmem>>) target(%dma_start3A_506 : memref<10240xf32, #tpu.memory_space<vmem_shared>>) offsets(%dma_start3A_504 : memref<128xi32, #tpu.memory_space<vmem>>) semaphore(%dma_start3A_508 : memref<!tpu.dma_semaphore, #tpu.memory_space<semaphore_mem>>) {add = true}
      %add3A_509 = arith.constant 0 : i32
      %add3A_510 = arith.addi %mul3A_422, %add3A_509 : i32
      %rem3A_511 = arith.constant 4 : i32
      %rem3A_512 = arith.remsi %add3A_510, %rem3A_511 : i32
      %dma_wait3A_513 = arith.constant 0 : i32
      %dma_wait3A_514 = arith.constant 0 : i32
      %dma_wait3A_515 = arith.constant 0 : i32
      %dma_wait3A_516 = arith.constant 0 : i32
      %dma_wait3A_517 = arith.constant 0 : i32
      %dma_wait3A_518 = tpu.memref_slice %arg9[%dma_wait3A_513, %dma_wait3A_516, %dma_wait3A_517] : memref<2x128x128xf32, #tpu.memory_space<vmem>> -> memref<1x128x128xf32, #tpu.memory_space<vmem>>
      %dma_wait3A_519 = tpu.memref_squeeze %dma_wait3A_518 : memref<1x128x128xf32, #tpu.memory_space<vmem>> -> memref<128x128xf32, #tpu.memory_space<vmem>>
      %dma_wait3A_520 = arith.constant 0 : i32
      %dma_wait3A_521 = tpu.memref_slice %arg8[%rem3A_426, %dma_wait3A_514, %dma_wait3A_520] : memref<4x1x128xi32, #tpu.memory_space<vmem>> -> memref<1x1x128xi32, #tpu.memory_space<vmem>>
      %dma_wait3A_522 = tpu.memref_squeeze %dma_wait3A_521 : memref<1x1x128xi32, #tpu.memory_space<vmem>> -> memref<128xi32, #tpu.memory_space<vmem>>
      %dma_wait3A_523 = arith.constant 0 : i32
      %dma_wait3A_524 = arith.constant 0 : i32
      %dma_wait3A_525 = tpu.memref_slice %arg13[%dma_wait3A_523, %dma_wait3A_524] : memref<10016x128xf32, #tpu.memory_space<vmem_shared>> -> memref<10016x128xf32, #tpu.memory_space<vmem_shared>>
      %dma_wait3A_526 = tpu.memref_slice %arg17[%dma_wait3A_515] : memref<2x!tpu.dma_semaphore, #tpu.memory_space<semaphore_mem>> -> memref<1x!tpu.dma_semaphore, #tpu.memory_space<semaphore_mem>>
      %dma_wait3A_527 = tpu.memref_squeeze %dma_wait3A_526 : memref<1x!tpu.dma_semaphore, #tpu.memory_space<semaphore_mem>> -> memref<!tpu.dma_semaphore, #tpu.memory_space<semaphore_mem>>
      tpu.wait_indirect_dma semaphore(%dma_wait3A_527 : memref<!tpu.dma_semaphore, #tpu.memory_space<semaphore_mem>>) src(%dma_wait3A_519 : memref<128x128xf32, #tpu.memory_space<vmem>>) dst(%dma_wait3A_525 : memref<10016x128xf32, #tpu.memory_space<vmem_shared>>)
      %dma_wait3A_528 = arith.constant 0 : i32
      %dma_wait3A_529 = arith.constant 0 : i32
      %dma_wait3A_530 = arith.constant 0 : i32
      %dma_wait3A_531 = tpu.memref_slice %arg8[%rem3A_426, %dma_wait3A_528, %dma_wait3A_530] : memref<4x1x128xi32, #tpu.memory_space<vmem>> -> memref<1x1x128xi32, #tpu.memory_space<vmem>>
      %dma_wait3A_532 = tpu.memref_squeeze %dma_wait3A_531 : memref<1x1x128xi32, #tpu.memory_space<vmem>> -> memref<128xi32, #tpu.memory_space<vmem>>
      %dma_wait3A_533 = arith.constant 0 : i32
      %dma_wait3A_534 = tpu.memref_slice %arg14[%dma_wait3A_533] : memref<10240xf32, #tpu.memory_space<vmem_shared>> -> memref<10240xf32, #tpu.memory_space<vmem_shared>>
      %dma_wait3A_535 = tpu.memref_slice %arg18[%dma_wait3A_529] : memref<2x!tpu.dma_semaphore, #tpu.memory_space<semaphore_mem>> -> memref<1x!tpu.dma_semaphore, #tpu.memory_space<semaphore_mem>>
      %dma_wait3A_536 = tpu.memref_squeeze %dma_wait3A_535 : memref<1x!tpu.dma_semaphore, #tpu.memory_space<semaphore_mem>> -> memref<!tpu.dma_semaphore, #tpu.memory_space<semaphore_mem>>
      tpu.wait_indirect_dma semaphore(%dma_wait3A_536 : memref<!tpu.dma_semaphore, #tpu.memory_space<semaphore_mem>>) src(%arg12 : memref<128xf32, #tpu.memory_space<vmem>>) dst(%dma_wait3A_534 : memref<10240xf32, #tpu.memory_space<vmem_shared>>)
      %add3A_537 = arith.constant 4 : i32
      %add3A_538 = arith.addi %add3A_510, %add3A_537 : i32
      %lt3A_539 = arith.cmpi slt, %add3A_538, %select_n3A : i32
      %convert_element_type3A_540 = arith.extui %lt3A_539 : i1 to i32
      %cond3A_541 = arith.constant 0 : i32
      %cond3A_542 = arith.cmpi ne, %convert_element_type3A_540, %cond3A_541 : i32
      scf.if %cond3A_542 {
        %add3A_598 = arith.addi %mul3A_2, %add3A_510 : i32
        %add3A_599 = arith.constant 4 : i32
        %add3A_600 = arith.addi %add3A_598, %add3A_599 : i32
        %dma_start3A_601 = arith.constant 0 : i32
        %dma_start3A_602 = arith.constant 0 : i32
        %dma_start3A_603 = tpu.memref_slice %arg7[%rem3A_512, %dma_start3A_601, %dma_start3A_602] : memref<4x1x128xi32, #tpu.memory_space<vmem>> -> memref<1x1x128xi32, #tpu.memory_space<vmem>>
        %dma_start3A_604 = tpu.memref_squeeze %dma_start3A_603 : memref<1x1x128xi32, #tpu.memory_space<vmem>> -> memref<1x128xi32, #tpu.memory_space<vmem>>
        %dma_start3A_605 = arith.constant 0 : i32
        %dma_start3A_606 = arith.constant 0 : i32
        %dma_start3A_607 = tpu.memref_slice %arg3[%add3A_600, %dma_start3A_605, %dma_start3A_606] : memref<2500x1x128xi32, #tpu.memory_space<hbm>> -> memref<1x1x128xi32, #tpu.memory_space<hbm>>
        %dma_start3A_608 = tpu.memref_squeeze %dma_start3A_607 : memref<1x1x128xi32, #tpu.memory_space<hbm>> -> memref<1x128xi32, #tpu.memory_space<hbm>>
        %dma_start3A_609 = tpu.memref_slice %arg15[%rem3A_512] : memref<4x!tpu.dma_semaphore, #tpu.memory_space<semaphore_mem>> -> memref<1x!tpu.dma_semaphore, #tpu.memory_space<semaphore_mem>>
        %dma_start3A_610 = tpu.memref_squeeze %dma_start3A_609 : memref<1x!tpu.dma_semaphore, #tpu.memory_space<semaphore_mem>> -> memref<!tpu.dma_semaphore, #tpu.memory_space<semaphore_mem>>
        %dma_start3A_611 = arith.constant 0 : i32
        %dma_start3A_612 = arith.constant 0 : i32
        %dma_start3A_613 = tpu.memref_slice %arg7[%rem3A_512, %dma_start3A_611, %dma_start3A_612] : memref<4x1x128xi32, #tpu.memory_space<vmem>> -> memref<1x1x128xi32, #tpu.memory_space<vmem>>
        %dma_start3A_614 = tpu.memref_squeeze %dma_start3A_613 : memref<1x1x128xi32, #tpu.memory_space<vmem>> -> memref<1x128xi32, #tpu.memory_space<vmem>>
        %dma_start3A_615 = arith.constant 0 : i32
        %dma_start3A_616 = arith.constant 0 : i32
        %dma_start3A_617 = tpu.memref_slice %arg3[%add3A_600, %dma_start3A_615, %dma_start3A_616] : memref<2500x1x128xi32, #tpu.memory_space<hbm>> -> memref<1x1x128xi32, #tpu.memory_space<hbm>>
        %dma_start3A_618 = tpu.memref_squeeze %dma_start3A_617 : memref<1x1x128xi32, #tpu.memory_space<hbm>> -> memref<1x128xi32, #tpu.memory_space<hbm>>
        tpu.enqueue_dma source(%dma_start3A_618 : memref<1x128xi32, #tpu.memory_space<hbm>>) target(%dma_start3A_614 : memref<1x128xi32, #tpu.memory_space<vmem>>) target_semaphore(%dma_start3A_610 : memref<!tpu.dma_semaphore, #tpu.memory_space<semaphore_mem>>)
        %add3A_619 = arith.addi %mul3A_2, %add3A_510 : i32
        %add3A_620 = arith.constant 4 : i32
        %add3A_621 = arith.addi %add3A_619, %add3A_620 : i32
        %dma_start3A_622 = arith.constant 0 : i32
        %dma_start3A_623 = arith.constant 0 : i32
        %dma_start3A_624 = tpu.memref_slice %arg8[%rem3A_512, %dma_start3A_622, %dma_start3A_623] : memref<4x1x128xi32, #tpu.memory_space<vmem>> -> memref<1x1x128xi32, #tpu.memory_space<vmem>>
        %dma_start3A_625 = tpu.memref_squeeze %dma_start3A_624 : memref<1x1x128xi32, #tpu.memory_space<vmem>> -> memref<1x128xi32, #tpu.memory_space<vmem>>
        %dma_start3A_626 = arith.constant 0 : i32
        %dma_start3A_627 = arith.constant 0 : i32
        %dma_start3A_628 = tpu.memref_slice %arg4[%add3A_621, %dma_start3A_626, %dma_start3A_627] : memref<2500x1x128xi32, #tpu.memory_space<hbm>> -> memref<1x1x128xi32, #tpu.memory_space<hbm>>
        %dma_start3A_629 = tpu.memref_squeeze %dma_start3A_628 : memref<1x1x128xi32, #tpu.memory_space<hbm>> -> memref<1x128xi32, #tpu.memory_space<hbm>>
        %dma_start3A_630 = tpu.memref_slice %arg15[%rem3A_512] : memref<4x!tpu.dma_semaphore, #tpu.memory_space<semaphore_mem>> -> memref<1x!tpu.dma_semaphore, #tpu.memory_space<semaphore_mem>>
        %dma_start3A_631 = tpu.memref_squeeze %dma_start3A_630 : memref<1x!tpu.dma_semaphore, #tpu.memory_space<semaphore_mem>> -> memref<!tpu.dma_semaphore, #tpu.memory_space<semaphore_mem>>
        %dma_start3A_632 = arith.constant 0 : i32
        %dma_start3A_633 = arith.constant 0 : i32
        %dma_start3A_634 = tpu.memref_slice %arg8[%rem3A_512, %dma_start3A_632, %dma_start3A_633] : memref<4x1x128xi32, #tpu.memory_space<vmem>> -> memref<1x1x128xi32, #tpu.memory_space<vmem>>
        %dma_start3A_635 = tpu.memref_squeeze %dma_start3A_634 : memref<1x1x128xi32, #tpu.memory_space<vmem>> -> memref<1x128xi32, #tpu.memory_space<vmem>>
        %dma_start3A_636 = arith.constant 0 : i32
        %dma_start3A_637 = arith.constant 0 : i32
        %dma_start3A_638 = tpu.memref_slice %arg4[%add3A_621, %dma_start3A_636, %dma_start3A_637] : memref<2500x1x128xi32, #tpu.memory_space<hbm>> -> memref<1x1x128xi32, #tpu.memory_space<hbm>>
        %dma_start3A_639 = tpu.memref_squeeze %dma_start3A_638 : memref<1x1x128xi32, #tpu.memory_space<hbm>> -> memref<1x128xi32, #tpu.memory_space<hbm>>
        tpu.enqueue_dma source(%dma_start3A_639 : memref<1x128xi32, #tpu.memory_space<hbm>>) target(%dma_start3A_635 : memref<1x128xi32, #tpu.memory_space<vmem>>) target_semaphore(%dma_start3A_631 : memref<!tpu.dma_semaphore, #tpu.memory_space<semaphore_mem>>)
      } else {
      }
      %add3A_543 = arith.constant 1 : i32
      %add3A_544 = arith.addi %mul3A_422, %add3A_543 : i32
      %rem3A_545 = arith.constant 4 : i32
      %rem3A_546 = arith.remsi %add3A_544, %rem3A_545 : i32
      %dma_wait3A_547 = arith.constant 1 : i32
      %dma_wait3A_548 = arith.constant 0 : i32
      %dma_wait3A_549 = arith.constant 1 : i32
      %dma_wait3A_550 = arith.constant 0 : i32
      %dma_wait3A_551 = arith.constant 0 : i32
      %dma_wait3A_552 = tpu.memref_slice %arg9[%dma_wait3A_547, %dma_wait3A_550, %dma_wait3A_551] : memref<2x128x128xf32, #tpu.memory_space<vmem>> -> memref<1x128x128xf32, #tpu.memory_space<vmem>>
      %dma_wait3A_553 = tpu.memref_squeeze %dma_wait3A_552 : memref<1x128x128xf32, #tpu.memory_space<vmem>> -> memref<128x128xf32, #tpu.memory_space<vmem>>
      %dma_wait3A_554 = arith.constant 0 : i32
      %dma_wait3A_555 = tpu.memref_slice %arg8[%rem3A_469, %dma_wait3A_548, %dma_wait3A_554] : memref<4x1x128xi32, #tpu.memory_space<vmem>> -> memref<1x1x128xi32, #tpu.memory_space<vmem>>
      %dma_wait3A_556 = tpu.memref_squeeze %dma_wait3A_555 : memref<1x1x128xi32, #tpu.memory_space<vmem>> -> memref<128xi32, #tpu.memory_space<vmem>>
      %dma_wait3A_557 = arith.constant 0 : i32
      %dma_wait3A_558 = arith.constant 0 : i32
      %dma_wait3A_559 = tpu.memref_slice %arg13[%dma_wait3A_557, %dma_wait3A_558] : memref<10016x128xf32, #tpu.memory_space<vmem_shared>> -> memref<10016x128xf32, #tpu.memory_space<vmem_shared>>
      %dma_wait3A_560 = tpu.memref_slice %arg17[%dma_wait3A_549] : memref<2x!tpu.dma_semaphore, #tpu.memory_space<semaphore_mem>> -> memref<1x!tpu.dma_semaphore, #tpu.memory_space<semaphore_mem>>
      %dma_wait3A_561 = tpu.memref_squeeze %dma_wait3A_560 : memref<1x!tpu.dma_semaphore, #tpu.memory_space<semaphore_mem>> -> memref<!tpu.dma_semaphore, #tpu.memory_space<semaphore_mem>>
      tpu.wait_indirect_dma semaphore(%dma_wait3A_561 : memref<!tpu.dma_semaphore, #tpu.memory_space<semaphore_mem>>) src(%dma_wait3A_553 : memref<128x128xf32, #tpu.memory_space<vmem>>) dst(%dma_wait3A_559 : memref<10016x128xf32, #tpu.memory_space<vmem_shared>>)
      %dma_wait3A_562 = arith.constant 0 : i32
      %dma_wait3A_563 = arith.constant 1 : i32
      %dma_wait3A_564 = arith.constant 0 : i32
      %dma_wait3A_565 = tpu.memref_slice %arg8[%rem3A_469, %dma_wait3A_562, %dma_wait3A_564] : memref<4x1x128xi32, #tpu.memory_space<vmem>> -> memref<1x1x128xi32, #tpu.memory_space<vmem>>
      %dma_wait3A_566 = tpu.memref_squeeze %dma_wait3A_565 : memref<1x1x128xi32, #tpu.memory_space<vmem>> -> memref<128xi32, #tpu.memory_space<vmem>>
      %dma_wait3A_567 = arith.constant 0 : i32
      %dma_wait3A_568 = tpu.memref_slice %arg14[%dma_wait3A_567] : memref<10240xf32, #tpu.memory_space<vmem_shared>> -> memref<10240xf32, #tpu.memory_space<vmem_shared>>
      %dma_wait3A_569 = tpu.memref_slice %arg18[%dma_wait3A_563] : memref<2x!tpu.dma_semaphore, #tpu.memory_space<semaphore_mem>> -> memref<1x!tpu.dma_semaphore, #tpu.memory_space<semaphore_mem>>
      %dma_wait3A_570 = tpu.memref_squeeze %dma_wait3A_569 : memref<1x!tpu.dma_semaphore, #tpu.memory_space<semaphore_mem>> -> memref<!tpu.dma_semaphore, #tpu.memory_space<semaphore_mem>>
      tpu.wait_indirect_dma semaphore(%dma_wait3A_570 : memref<!tpu.dma_semaphore, #tpu.memory_space<semaphore_mem>>) src(%arg12 : memref<128xf32, #tpu.memory_space<vmem>>) dst(%dma_wait3A_568 : memref<10240xf32, #tpu.memory_space<vmem_shared>>)
      %add3A_571 = arith.constant 4 : i32
      %add3A_572 = arith.addi %add3A_544, %add3A_571 : i32
      %lt3A_573 = arith.cmpi slt, %add3A_572, %select_n3A : i32
      %convert_element_type3A_574 = arith.extui %lt3A_573 : i1 to i32
      %cond3A_575 = arith.constant 0 : i32
      %cond3A_576 = arith.cmpi ne, %convert_element_type3A_574, %cond3A_575 : i32
      scf.if %cond3A_576 {
        %add3A_598 = arith.addi %mul3A_2, %add3A_544 : i32
        %add3A_599 = arith.constant 4 : i32
        %add3A_600 = arith.addi %add3A_598, %add3A_599 : i32
        %dma_start3A_601 = arith.constant 0 : i32
        %dma_start3A_602 = arith.constant 0 : i32
        %dma_start3A_603 = tpu.memref_slice %arg7[%rem3A_546, %dma_start3A_601, %dma_start3A_602] : memref<4x1x128xi32, #tpu.memory_space<vmem>> -> memref<1x1x128xi32, #tpu.memory_space<vmem>>
        %dma_start3A_604 = tpu.memref_squeeze %dma_start3A_603 : memref<1x1x128xi32, #tpu.memory_space<vmem>> -> memref<1x128xi32, #tpu.memory_space<vmem>>
        %dma_start3A_605 = arith.constant 0 : i32
        %dma_start3A_606 = arith.constant 0 : i32
        %dma_start3A_607 = tpu.memref_slice %arg3[%add3A_600, %dma_start3A_605, %dma_start3A_606] : memref<2500x1x128xi32, #tpu.memory_space<hbm>> -> memref<1x1x128xi32, #tpu.memory_space<hbm>>
        %dma_start3A_608 = tpu.memref_squeeze %dma_start3A_607 : memref<1x1x128xi32, #tpu.memory_space<hbm>> -> memref<1x128xi32, #tpu.memory_space<hbm>>
        %dma_start3A_609 = tpu.memref_slice %arg15[%rem3A_546] : memref<4x!tpu.dma_semaphore, #tpu.memory_space<semaphore_mem>> -> memref<1x!tpu.dma_semaphore, #tpu.memory_space<semaphore_mem>>
        %dma_start3A_610 = tpu.memref_squeeze %dma_start3A_609 : memref<1x!tpu.dma_semaphore, #tpu.memory_space<semaphore_mem>> -> memref<!tpu.dma_semaphore, #tpu.memory_space<semaphore_mem>>
        %dma_start3A_611 = arith.constant 0 : i32
        %dma_start3A_612 = arith.constant 0 : i32
        %dma_start3A_613 = tpu.memref_slice %arg7[%rem3A_546, %dma_start3A_611, %dma_start3A_612] : memref<4x1x128xi32, #tpu.memory_space<vmem>> -> memref<1x1x128xi32, #tpu.memory_space<vmem>>
        %dma_start3A_614 = tpu.memref_squeeze %dma_start3A_613 : memref<1x1x128xi32, #tpu.memory_space<vmem>> -> memref<1x128xi32, #tpu.memory_space<vmem>>
        %dma_start3A_615 = arith.constant 0 : i32
        %dma_start3A_616 = arith.constant 0 : i32
        %dma_start3A_617 = tpu.memref_slice %arg3[%add3A_600, %dma_start3A_615, %dma_start3A_616] : memref<2500x1x128xi32, #tpu.memory_space<hbm>> -> memref<1x1x128xi32, #tpu.memory_space<hbm>>
        %dma_start3A_618 = tpu.memref_squeeze %dma_start3A_617 : memref<1x1x128xi32, #tpu.memory_space<hbm>> -> memref<1x128xi32, #tpu.memory_space<hbm>>
        tpu.enqueue_dma source(%dma_start3A_618 : memref<1x128xi32, #tpu.memory_space<hbm>>) target(%dma_start3A_614 : memref<1x128xi32, #tpu.memory_space<vmem>>) target_semaphore(%dma_start3A_610 : memref<!tpu.dma_semaphore, #tpu.memory_space<semaphore_mem>>)
        %add3A_619 = arith.addi %mul3A_2, %add3A_544 : i32
        %add3A_620 = arith.constant 4 : i32
        %add3A_621 = arith.addi %add3A_619, %add3A_620 : i32
        %dma_start3A_622 = arith.constant 0 : i32
        %dma_start3A_623 = arith.constant 0 : i32
        %dma_start3A_624 = tpu.memref_slice %arg8[%rem3A_546, %dma_start3A_622, %dma_start3A_623] : memref<4x1x128xi32, #tpu.memory_space<vmem>> -> memref<1x1x128xi32, #tpu.memory_space<vmem>>
        %dma_start3A_625 = tpu.memref_squeeze %dma_start3A_624 : memref<1x1x128xi32, #tpu.memory_space<vmem>> -> memref<1x128xi32, #tpu.memory_space<vmem>>
        %dma_start3A_626 = arith.constant 0 : i32
        %dma_start3A_627 = arith.constant 0 : i32
        %dma_start3A_628 = tpu.memref_slice %arg4[%add3A_621, %dma_start3A_626, %dma_start3A_627] : memref<2500x1x128xi32, #tpu.memory_space<hbm>> -> memref<1x1x128xi32, #tpu.memory_space<hbm>>
        %dma_start3A_629 = tpu.memref_squeeze %dma_start3A_628 : memref<1x1x128xi32, #tpu.memory_space<hbm>> -> memref<1x128xi32, #tpu.memory_space<hbm>>
        %dma_start3A_630 = tpu.memref_slice %arg15[%rem3A_546] : memref<4x!tpu.dma_semaphore, #tpu.memory_space<semaphore_mem>> -> memref<1x!tpu.dma_semaphore, #tpu.memory_space<semaphore_mem>>
        %dma_start3A_631 = tpu.memref_squeeze %dma_start3A_630 : memref<1x!tpu.dma_semaphore, #tpu.memory_space<semaphore_mem>> -> memref<!tpu.dma_semaphore, #tpu.memory_space<semaphore_mem>>
        %dma_start3A_632 = arith.constant 0 : i32
        %dma_start3A_633 = arith.constant 0 : i32
        %dma_start3A_634 = tpu.memref_slice %arg8[%rem3A_546, %dma_start3A_632, %dma_start3A_633] : memref<4x1x128xi32, #tpu.memory_space<vmem>> -> memref<1x1x128xi32, #tpu.memory_space<vmem>>
        %dma_start3A_635 = tpu.memref_squeeze %dma_start3A_634 : memref<1x1x128xi32, #tpu.memory_space<vmem>> -> memref<1x128xi32, #tpu.memory_space<vmem>>
        %dma_start3A_636 = arith.constant 0 : i32
        %dma_start3A_637 = arith.constant 0 : i32
        %dma_start3A_638 = tpu.memref_slice %arg4[%add3A_621, %dma_start3A_636, %dma_start3A_637] : memref<2500x1x128xi32, #tpu.memory_space<hbm>> -> memref<1x1x128xi32, #tpu.memory_space<hbm>>
        %dma_start3A_639 = tpu.memref_squeeze %dma_start3A_638 : memref<1x1x128xi32, #tpu.memory_space<hbm>> -> memref<1x128xi32, #tpu.memory_space<hbm>>
        tpu.enqueue_dma source(%dma_start3A_639 : memref<1x128xi32, #tpu.memory_space<hbm>>) target(%dma_start3A_635 : memref<1x128xi32, #tpu.memory_space<vmem>>) target_semaphore(%dma_start3A_631 : memref<!tpu.dma_semaphore, #tpu.memory_space<semaphore_mem>>)
      } else {
      }
      %add3A_577 = arith.constant 0 : i32
      %add3A_578 = arith.addi %mul3A_422, %add3A_577 : i32
      %add3A_579 = arith.constant 2 : i32
      %add3A_580 = arith.addi %add3A_578, %add3A_579 : i32
      %rem3A_581 = arith.constant 4 : i32
      %rem3A_582 = arith.remsi %add3A_580, %rem3A_581 : i32
      %lt3A_583 = arith.cmpi slt, %add3A_580, %select_n3A : i32
      %convert_element_type3A_584 = arith.extui %lt3A_583 : i1 to i32
      %cond3A_585 = arith.constant 0 : i32
      %cond3A_586 = arith.cmpi ne, %convert_element_type3A_584, %cond3A_585 : i32
      scf.if %cond3A_586 {
        %add3A_598 = arith.addi %mul3A_2, %add3A_580 : i32
        %dma_wait3A_599 = arith.constant 0 : i32
        %dma_wait3A_600 = arith.constant 0 : i32
        %dma_wait3A_601 = tpu.memref_slice %arg7[%rem3A_582, %dma_wait3A_599, %dma_wait3A_600] : memref<4x1x128xi32, #tpu.memory_space<vmem>> -> memref<1x1x128xi32, #tpu.memory_space<vmem>>
        %dma_wait3A_602 = tpu.memref_squeeze %dma_wait3A_601 : memref<1x1x128xi32, #tpu.memory_space<vmem>> -> memref<1x128xi32, #tpu.memory_space<vmem>>
        %dma_wait3A_603 = arith.constant 0 : i32
        %dma_wait3A_604 = arith.constant 0 : i32
        %dma_wait3A_605 = tpu.memref_slice %arg3[%add3A_598, %dma_wait3A_603, %dma_wait3A_604] : memref<2500x1x128xi32, #tpu.memory_space<hbm>> -> memref<1x1x128xi32, #tpu.memory_space<hbm>>
        %dma_wait3A_606 = tpu.memref_squeeze %dma_wait3A_605 : memref<1x1x128xi32, #tpu.memory_space<hbm>> -> memref<1x128xi32, #tpu.memory_space<hbm>>
        %dma_wait3A_607 = tpu.memref_slice %arg15[%rem3A_582] : memref<4x!tpu.dma_semaphore, #tpu.memory_space<semaphore_mem>> -> memref<1x!tpu.dma_semaphore, #tpu.memory_space<semaphore_mem>>
        %dma_wait3A_608 = tpu.memref_squeeze %dma_wait3A_607 : memref<1x!tpu.dma_semaphore, #tpu.memory_space<semaphore_mem>> -> memref<!tpu.dma_semaphore, #tpu.memory_space<semaphore_mem>>
        %dma_wait3A_609 = arith.constant 0 : i32
        %dma_wait3A_610 = arith.constant 0 : i32
        %dma_wait3A_611 = tpu.memref_slice %arg7[%rem3A_582, %dma_wait3A_609, %dma_wait3A_610] : memref<4x1x128xi32, #tpu.memory_space<vmem>> -> memref<1x1x128xi32, #tpu.memory_space<vmem>>
        %dma_wait3A_612 = tpu.memref_squeeze %dma_wait3A_611 : memref<1x1x128xi32, #tpu.memory_space<vmem>> -> memref<1x128xi32, #tpu.memory_space<vmem>>
        %dma_wait3A_613 = arith.constant 0 : i32
        %dma_wait3A_614 = arith.constant 0 : i32
        %dma_wait3A_615 = tpu.memref_slice %arg3[%add3A_598, %dma_wait3A_613, %dma_wait3A_614] : memref<2500x1x128xi32, #tpu.memory_space<hbm>> -> memref<1x1x128xi32, #tpu.memory_space<hbm>>
        %dma_wait3A_616 = tpu.memref_squeeze %dma_wait3A_615 : memref<1x1x128xi32, #tpu.memory_space<hbm>> -> memref<1x128xi32, #tpu.memory_space<hbm>>
        tpu.wait_dma2 semaphore(%dma_wait3A_608 : memref<!tpu.dma_semaphore, #tpu.memory_space<semaphore_mem>>) src(%dma_wait3A_616 : memref<1x128xi32, #tpu.memory_space<hbm>>) dst(%dma_wait3A_612 : memref<1x128xi32, #tpu.memory_space<vmem>>)
        %add3A_617 = arith.addi %mul3A_2, %add3A_580 : i32
        %dma_wait3A_618 = arith.constant 0 : i32
        %dma_wait3A_619 = arith.constant 0 : i32
        %dma_wait3A_620 = tpu.memref_slice %arg8[%rem3A_582, %dma_wait3A_618, %dma_wait3A_619] : memref<4x1x128xi32, #tpu.memory_space<vmem>> -> memref<1x1x128xi32, #tpu.memory_space<vmem>>
        %dma_wait3A_621 = tpu.memref_squeeze %dma_wait3A_620 : memref<1x1x128xi32, #tpu.memory_space<vmem>> -> memref<1x128xi32, #tpu.memory_space<vmem>>
        %dma_wait3A_622 = arith.constant 0 : i32
        %dma_wait3A_623 = arith.constant 0 : i32
        %dma_wait3A_624 = tpu.memref_slice %arg4[%add3A_617, %dma_wait3A_622, %dma_wait3A_623] : memref<2500x1x128xi32, #tpu.memory_space<hbm>> -> memref<1x1x128xi32, #tpu.memory_space<hbm>>
        %dma_wait3A_625 = tpu.memref_squeeze %dma_wait3A_624 : memref<1x1x128xi32, #tpu.memory_space<hbm>> -> memref<1x128xi32, #tpu.memory_space<hbm>>
        %dma_wait3A_626 = tpu.memref_slice %arg15[%rem3A_582] : memref<4x!tpu.dma_semaphore, #tpu.memory_space<semaphore_mem>> -> memref<1x!tpu.dma_semaphore, #tpu.memory_space<semaphore_mem>>
        %dma_wait3A_627 = tpu.memref_squeeze %dma_wait3A_626 : memref<1x!tpu.dma_semaphore, #tpu.memory_space<semaphore_mem>> -> memref<!tpu.dma_semaphore, #tpu.memory_space<semaphore_mem>>
        %dma_wait3A_628 = arith.constant 0 : i32
        %dma_wait3A_629 = arith.constant 0 : i32
        %dma_wait3A_630 = tpu.memref_slice %arg8[%rem3A_582, %dma_wait3A_628, %dma_wait3A_629] : memref<4x1x128xi32, #tpu.memory_space<vmem>> -> memref<1x1x128xi32, #tpu.memory_space<vmem>>
        %dma_wait3A_631 = tpu.memref_squeeze %dma_wait3A_630 : memref<1x1x128xi32, #tpu.memory_space<vmem>> -> memref<1x128xi32, #tpu.memory_space<vmem>>
        %dma_wait3A_632 = arith.constant 0 : i32
        %dma_wait3A_633 = arith.constant 0 : i32
        %dma_wait3A_634 = tpu.memref_slice %arg4[%add3A_617, %dma_wait3A_632, %dma_wait3A_633] : memref<2500x1x128xi32, #tpu.memory_space<hbm>> -> memref<1x1x128xi32, #tpu.memory_space<hbm>>
        %dma_wait3A_635 = tpu.memref_squeeze %dma_wait3A_634 : memref<1x1x128xi32, #tpu.memory_space<hbm>> -> memref<1x128xi32, #tpu.memory_space<hbm>>
        tpu.wait_dma2 semaphore(%dma_wait3A_627 : memref<!tpu.dma_semaphore, #tpu.memory_space<semaphore_mem>>) src(%dma_wait3A_635 : memref<1x128xi32, #tpu.memory_space<hbm>>) dst(%dma_wait3A_631 : memref<1x128xi32, #tpu.memory_space<vmem>>)
        %dma_start3A_636 = arith.constant 0 : i32
        %dma_start3A_637 = arith.constant 0 : i32
        %dma_start3A_638 = arith.constant 0 : i32
        %dma_start3A_639 = arith.constant 0 : i32
        %dma_start3A_640 = arith.constant 0 : i32
        %dma_start3A_641 = tpu.memref_slice %arg9[%dma_start3A_637, %dma_start3A_639, %dma_start3A_640] : memref<2x128x128xf32, #tpu.memory_space<vmem>> -> memref<1x128x128xf32, #tpu.memory_space<vmem>>
        %dma_start3A_642 = tpu.memref_squeeze %dma_start3A_641 : memref<1x128x128xf32, #tpu.memory_space<vmem>> -> memref<128x128xf32, #tpu.memory_space<vmem>>
        %dma_start3A_643 = arith.constant 0 : i32
        %dma_start3A_644 = tpu.memref_slice %arg7[%rem3A_582, %dma_start3A_636, %dma_start3A_643] : memref<4x1x128xi32, #tpu.memory_space<vmem>> -> memref<1x1x128xi32, #tpu.memory_space<vmem>>
        %dma_start3A_645 = tpu.memref_squeeze %dma_start3A_644 : memref<1x1x128xi32, #tpu.memory_space<vmem>> -> memref<128xi32, #tpu.memory_space<vmem>>
        %dma_start3A_646 = arith.constant 0 : i32
        %dma_start3A_647 = arith.constant 0 : i32
        %dma_start3A_648 = tpu.memref_slice %arg2[%dma_start3A_646, %dma_start3A_647] : memref<10000x128xf32, #tpu.memory_space<hbm>> -> memref<10000x128xf32, #tpu.memory_space<hbm>>
        %dma_start3A_649 = tpu.memref_slice %arg16[%dma_start3A_638] : memref<2x!tpu.dma_semaphore, #tpu.memory_space<semaphore_mem>> -> memref<1x!tpu.dma_semaphore, #tpu.memory_space<semaphore_mem>>
        %dma_start3A_650 = tpu.memref_squeeze %dma_start3A_649 : memref<1x!tpu.dma_semaphore, #tpu.memory_space<semaphore_mem>> -> memref<!tpu.dma_semaphore, #tpu.memory_space<semaphore_mem>>
        tpu.enqueue_indirect_dma source(%dma_start3A_648 : memref<10000x128xf32, #tpu.memory_space<hbm>>) target(%dma_start3A_642 : memref<128x128xf32, #tpu.memory_space<vmem>>) offsets(%dma_start3A_645 : memref<128xi32, #tpu.memory_space<vmem>>) semaphore(%dma_start3A_650 : memref<!tpu.dma_semaphore, #tpu.memory_space<semaphore_mem>>)
      } else {
      }
      %add3A_587 = arith.constant 1 : i32
      %add3A_588 = arith.addi %mul3A_422, %add3A_587 : i32
      %add3A_589 = arith.constant 2 : i32
      %add3A_590 = arith.addi %add3A_588, %add3A_589 : i32
      %rem3A_591 = arith.constant 4 : i32
      %rem3A_592 = arith.remsi %add3A_590, %rem3A_591 : i32
      %lt3A_593 = arith.cmpi slt, %add3A_590, %select_n3A : i32
      %convert_element_type3A_594 = arith.extui %lt3A_593 : i1 to i32
      %cond3A_595 = arith.constant 0 : i32
      %cond3A_596 = arith.cmpi ne, %convert_element_type3A_594, %cond3A_595 : i32
      scf.if %cond3A_596 {
        %add3A_598 = arith.addi %mul3A_2, %add3A_590 : i32
        %dma_wait3A_599 = arith.constant 0 : i32
        %dma_wait3A_600 = arith.constant 0 : i32
        %dma_wait3A_601 = tpu.memref_slice %arg7[%rem3A_592, %dma_wait3A_599, %dma_wait3A_600] : memref<4x1x128xi32, #tpu.memory_space<vmem>> -> memref<1x1x128xi32, #tpu.memory_space<vmem>>
        %dma_wait3A_602 = tpu.memref_squeeze %dma_wait3A_601 : memref<1x1x128xi32, #tpu.memory_space<vmem>> -> memref<1x128xi32, #tpu.memory_space<vmem>>
        %dma_wait3A_603 = arith.constant 0 : i32
        %dma_wait3A_604 = arith.constant 0 : i32
        %dma_wait3A_605 = tpu.memref_slice %arg3[%add3A_598, %dma_wait3A_603, %dma_wait3A_604] : memref<2500x1x128xi32, #tpu.memory_space<hbm>> -> memref<1x1x128xi32, #tpu.memory_space<hbm>>
        %dma_wait3A_606 = tpu.memref_squeeze %dma_wait3A_605 : memref<1x1x128xi32, #tpu.memory_space<hbm>> -> memref<1x128xi32, #tpu.memory_space<hbm>>
        %dma_wait3A_607 = tpu.memref_slice %arg15[%rem3A_592] : memref<4x!tpu.dma_semaphore, #tpu.memory_space<semaphore_mem>> -> memref<1x!tpu.dma_semaphore, #tpu.memory_space<semaphore_mem>>
        %dma_wait3A_608 = tpu.memref_squeeze %dma_wait3A_607 : memref<1x!tpu.dma_semaphore, #tpu.memory_space<semaphore_mem>> -> memref<!tpu.dma_semaphore, #tpu.memory_space<semaphore_mem>>
        %dma_wait3A_609 = arith.constant 0 : i32
        %dma_wait3A_610 = arith.constant 0 : i32
        %dma_wait3A_611 = tpu.memref_slice %arg7[%rem3A_592, %dma_wait3A_609, %dma_wait3A_610] : memref<4x1x128xi32, #tpu.memory_space<vmem>> -> memref<1x1x128xi32, #tpu.memory_space<vmem>>
        %dma_wait3A_612 = tpu.memref_squeeze %dma_wait3A_611 : memref<1x1x128xi32, #tpu.memory_space<vmem>> -> memref<1x128xi32, #tpu.memory_space<vmem>>
        %dma_wait3A_613 = arith.constant 0 : i32
        %dma_wait3A_614 = arith.constant 0 : i32
        %dma_wait3A_615 = tpu.memref_slice %arg3[%add3A_598, %dma_wait3A_613, %dma_wait3A_614] : memref<2500x1x128xi32, #tpu.memory_space<hbm>> -> memref<1x1x128xi32, #tpu.memory_space<hbm>>
        %dma_wait3A_616 = tpu.memref_squeeze %dma_wait3A_615 : memref<1x1x128xi32, #tpu.memory_space<hbm>> -> memref<1x128xi32, #tpu.memory_space<hbm>>
        tpu.wait_dma2 semaphore(%dma_wait3A_608 : memref<!tpu.dma_semaphore, #tpu.memory_space<semaphore_mem>>) src(%dma_wait3A_616 : memref<1x128xi32, #tpu.memory_space<hbm>>) dst(%dma_wait3A_612 : memref<1x128xi32, #tpu.memory_space<vmem>>)
        %add3A_617 = arith.addi %mul3A_2, %add3A_590 : i32
        %dma_wait3A_618 = arith.constant 0 : i32
        %dma_wait3A_619 = arith.constant 0 : i32
        %dma_wait3A_620 = tpu.memref_slice %arg8[%rem3A_592, %dma_wait3A_618, %dma_wait3A_619] : memref<4x1x128xi32, #tpu.memory_space<vmem>> -> memref<1x1x128xi32, #tpu.memory_space<vmem>>
        %dma_wait3A_621 = tpu.memref_squeeze %dma_wait3A_620 : memref<1x1x128xi32, #tpu.memory_space<vmem>> -> memref<1x128xi32, #tpu.memory_space<vmem>>
        %dma_wait3A_622 = arith.constant 0 : i32
        %dma_wait3A_623 = arith.constant 0 : i32
        %dma_wait3A_624 = tpu.memref_slice %arg4[%add3A_617, %dma_wait3A_622, %dma_wait3A_623] : memref<2500x1x128xi32, #tpu.memory_space<hbm>> -> memref<1x1x128xi32, #tpu.memory_space<hbm>>
        %dma_wait3A_625 = tpu.memref_squeeze %dma_wait3A_624 : memref<1x1x128xi32, #tpu.memory_space<hbm>> -> memref<1x128xi32, #tpu.memory_space<hbm>>
        %dma_wait3A_626 = tpu.memref_slice %arg15[%rem3A_592] : memref<4x!tpu.dma_semaphore, #tpu.memory_space<semaphore_mem>> -> memref<1x!tpu.dma_semaphore, #tpu.memory_space<semaphore_mem>>
        %dma_wait3A_627 = tpu.memref_squeeze %dma_wait3A_626 : memref<1x!tpu.dma_semaphore, #tpu.memory_space<semaphore_mem>> -> memref<!tpu.dma_semaphore, #tpu.memory_space<semaphore_mem>>
        %dma_wait3A_628 = arith.constant 0 : i32
        %dma_wait3A_629 = arith.constant 0 : i32
        %dma_wait3A_630 = tpu.memref_slice %arg8[%rem3A_592, %dma_wait3A_628, %dma_wait3A_629] : memref<4x1x128xi32, #tpu.memory_space<vmem>> -> memref<1x1x128xi32, #tpu.memory_space<vmem>>
        %dma_wait3A_631 = tpu.memref_squeeze %dma_wait3A_630 : memref<1x1x128xi32, #tpu.memory_space<vmem>> -> memref<1x128xi32, #tpu.memory_space<vmem>>
        %dma_wait3A_632 = arith.constant 0 : i32
        %dma_wait3A_633 = arith.constant 0 : i32
        %dma_wait3A_634 = tpu.memref_slice %arg4[%add3A_617, %dma_wait3A_632, %dma_wait3A_633] : memref<2500x1x128xi32, #tpu.memory_space<hbm>> -> memref<1x1x128xi32, #tpu.memory_space<hbm>>
        %dma_wait3A_635 = tpu.memref_squeeze %dma_wait3A_634 : memref<1x1x128xi32, #tpu.memory_space<hbm>> -> memref<1x128xi32, #tpu.memory_space<hbm>>
        tpu.wait_dma2 semaphore(%dma_wait3A_627 : memref<!tpu.dma_semaphore, #tpu.memory_space<semaphore_mem>>) src(%dma_wait3A_635 : memref<1x128xi32, #tpu.memory_space<hbm>>) dst(%dma_wait3A_631 : memref<1x128xi32, #tpu.memory_space<vmem>>)
        %dma_start3A_636 = arith.constant 0 : i32
        %dma_start3A_637 = arith.constant 1 : i32
        %dma_start3A_638 = arith.constant 1 : i32
        %dma_start3A_639 = arith.constant 0 : i32
        %dma_start3A_640 = arith.constant 0 : i32
        %dma_start3A_641 = tpu.memref_slice %arg9[%dma_start3A_637, %dma_start3A_639, %dma_start3A_640] : memref<2x128x128xf32, #tpu.memory_space<vmem>> -> memref<1x128x128xf32, #tpu.memory_space<vmem>>
        %dma_start3A_642 = tpu.memref_squeeze %dma_start3A_641 : memref<1x128x128xf32, #tpu.memory_space<vmem>> -> memref<128x128xf32, #tpu.memory_space<vmem>>
        %dma_start3A_643 = arith.constant 0 : i32
        %dma_start3A_644 = tpu.memref_slice %arg7[%rem3A_592, %dma_start3A_636, %dma_start3A_643] : memref<4x1x128xi32, #tpu.memory_space<vmem>> -> memref<1x1x128xi32, #tpu.memory_space<vmem>>
        %dma_start3A_645 = tpu.memref_squeeze %dma_start3A_644 : memref<1x1x128xi32, #tpu.memory_space<vmem>> -> memref<128xi32, #tpu.memory_space<vmem>>
        %dma_start3A_646 = arith.constant 0 : i32
        %dma_start3A_647 = arith.constant 0 : i32
        %dma_start3A_648 = tpu.memref_slice %arg2[%dma_start3A_646, %dma_start3A_647] : memref<10000x128xf32, #tpu.memory_space<hbm>> -> memref<10000x128xf32, #tpu.memory_space<hbm>>
        %dma_start3A_649 = tpu.memref_slice %arg16[%dma_start3A_638] : memref<2x!tpu.dma_semaphore, #tpu.memory_space<semaphore_mem>> -> memref<1x!tpu.dma_semaphore, #tpu.memory_space<semaphore_mem>>
        %dma_start3A_650 = tpu.memref_squeeze %dma_start3A_649 : memref<1x!tpu.dma_semaphore, #tpu.memory_space<semaphore_mem>> -> memref<!tpu.dma_semaphore, #tpu.memory_space<semaphore_mem>>
        tpu.enqueue_indirect_dma source(%dma_start3A_648 : memref<10000x128xf32, #tpu.memory_space<hbm>>) target(%dma_start3A_642 : memref<128x128xf32, #tpu.memory_space<vmem>>) offsets(%dma_start3A_645 : memref<128xi32, #tpu.memory_space<vmem>>) semaphore(%dma_start3A_650 : memref<!tpu.dma_semaphore, #tpu.memory_space<semaphore_mem>>)
      } else {
      }
      %while3A_597 = arith.constant 0 : i32
      scf.yield %while3A_597 : i32
    }
    "tpu.trace_stop"() : () -> ()
    "tpu.trace_start"() <{level = 10 : i32, message = "barrier1"}> : () -> ()
    %barrier3A_398 = arith.constant 0 : index
    tpu.barrier barrier_id(%barrier3A_398)
    %lt3A_399 = arith.constant 15 : i32
    "tpu.trace_stop"() : () -> ()
    "tpu.trace_start"() <{level = 10 : i32, message = "dump_phase"}> : () -> ()
    %lt3A_400 = arith.cmpi slt, %arg1, %lt3A_399 : i32
    %convert_element_type3A_401 = arith.extui %lt3A_400 : i1 to i32
    %cond3A_402 = arith.constant 0 : i32
    %cond3A_403 = arith.cmpi ne, %convert_element_type3A_401, %cond3A_402 : i32
    scf.if %cond3A_403 {
      %mul3A_419 = arith.constant 624 : i32
      %mul3A_420 = arith.muli %arg1, %mul3A_419 : i32
      %multiple_of3A = tpu.assume_multiple %mul3A_420, 8 : i32
      %mul3A_421 = arith.constant 10000 : i32
      %mul3A_422 = arith.muli %arg0, %mul3A_421 : i32
      %add3A_423 = arith.addi %mul3A_422, %multiple_of3A : i32
      "tpu.region"() ({
        %run_scoped3A = tpu.sem_alloc : memref<!tpu.dma_semaphore, #tpu.memory_space<semaphore_mem>>
        %dma_start3A_424 = arith.constant 0 : i32
        %dma_start3A_425 = tpu.memref_slice %arg5[%add3A_423, %dma_start3A_424] : memref<20000x128xf32, #tpu.memory_space<hbm>> -> memref<624x128xf32, #tpu.memory_space<hbm>>
        %dma_start3A_426 = arith.constant 0 : i32
        %dma_start3A_427 = tpu.memref_slice %arg13[%multiple_of3A, %dma_start3A_426] : memref<10016x128xf32, #tpu.memory_space<vmem_shared>> -> memref<624x128xf32, #tpu.memory_space<vmem_shared>>
        tpu.enqueue_dma source(%dma_start3A_427 : memref<624x128xf32, #tpu.memory_space<vmem_shared>>) target(%dma_start3A_425 : memref<624x128xf32, #tpu.memory_space<hbm>>) target_semaphore(%run_scoped3A : memref<!tpu.dma_semaphore, #tpu.memory_space<semaphore_mem>>)
        %dma_wait3A_428 = arith.constant 0 : i32
        %dma_wait3A_429 = tpu.memref_slice %arg5[%add3A_423, %dma_wait3A_428] : memref<20000x128xf32, #tpu.memory_space<hbm>> -> memref<624x128xf32, #tpu.memory_space<hbm>>
        %dma_wait3A_430 = arith.constant 0 : i32
        %dma_wait3A_431 = tpu.memref_slice %arg13[%multiple_of3A, %dma_wait3A_430] : memref<10016x128xf32, #tpu.memory_space<vmem_shared>> -> memref<624x128xf32, #tpu.memory_space<vmem_shared>>
        tpu.wait_dma2 semaphore(%run_scoped3A : memref<!tpu.dma_semaphore, #tpu.memory_space<semaphore_mem>>) src(%dma_wait3A_431 : memref<624x128xf32, #tpu.memory_space<vmem_shared>>) dst(%dma_wait3A_429 : memref<624x128xf32, #tpu.memory_space<hbm>>)
        tpu.yield
      }) : () -> ()
    } else {
    }
    %eq3A_404 = arith.constant 15 : i32
    %eq3A_405 = arith.cmpi eq, %arg1, %eq3A_404 : i32
    %convert_element_type3A_406 = arith.extui %eq3A_405 : i1 to i32
    %cond3A_407 = arith.constant 0 : i32
    %cond3A_408 = arith.cmpi ne, %convert_element_type3A_406, %cond3A_407 : i32
    scf.if %cond3A_408 {
      %mul3A_419 = arith.constant 10000 : i32
      %mul3A_420 = arith.muli %arg0, %mul3A_419 : i32
      %add3A_421 = arith.constant 9360 : i32
      %add3A_422 = arith.addi %mul3A_420, %add3A_421 : i32
      "tpu.region"() ({
        %run_scoped3A = tpu.sem_alloc : memref<!tpu.dma_semaphore, #tpu.memory_space<semaphore_mem>>
        %dma_start3A_423 = arith.constant 0 : i32
        %dma_start3A_424 = tpu.memref_slice %arg5[%add3A_422, %dma_start3A_423] : memref<20000x128xf32, #tpu.memory_space<hbm>> -> memref<640x128xf32, #tpu.memory_space<hbm>>
        %dma_start3A_425 = arith.constant 9360 : i32
        %dma_start3A_426 = arith.constant 0 : i32
        %dma_start3A_427 = tpu.memref_slice %arg13[%dma_start3A_425, %dma_start3A_426] : memref<10016x128xf32, #tpu.memory_space<vmem_shared>> -> memref<640x128xf32, #tpu.memory_space<vmem_shared>>
        tpu.enqueue_dma source(%dma_start3A_427 : memref<640x128xf32, #tpu.memory_space<vmem_shared>>) target(%dma_start3A_424 : memref<640x128xf32, #tpu.memory_space<hbm>>) target_semaphore(%run_scoped3A : memref<!tpu.dma_semaphore, #tpu.memory_space<semaphore_mem>>)
        %dma_wait3A_428 = arith.constant 0 : i32
        %dma_wait3A_429 = tpu.memref_slice %arg5[%add3A_422, %dma_wait3A_428] : memref<20000x128xf32, #tpu.memory_space<hbm>> -> memref<640x128xf32, #tpu.memory_space<hbm>>
        %dma_wait3A_430 = arith.constant 9360 : i32
        %dma_wait3A_431 = arith.constant 0 : i32
        %dma_wait3A_432 = tpu.memref_slice %arg13[%dma_wait3A_430, %dma_wait3A_431] : memref<10016x128xf32, #tpu.memory_space<vmem_shared>> -> memref<640x128xf32, #tpu.memory_space<vmem_shared>>
        tpu.wait_dma2 semaphore(%run_scoped3A : memref<!tpu.dma_semaphore, #tpu.memory_space<semaphore_mem>>) src(%dma_wait3A_432 : memref<640x128xf32, #tpu.memory_space<vmem_shared>>) dst(%dma_wait3A_429 : memref<640x128xf32, #tpu.memory_space<hbm>>)
        tpu.yield
      }) : () -> ()
    } else {
    }
    %lt3A_409 = arith.constant 7 : i32
    %lt3A_410 = arith.cmpi slt, %arg1, %lt3A_409 : i32
    %convert_element_type3A_411 = arith.extui %lt3A_410 : i1 to i32
    %cond3A_412 = arith.constant 0 : i32
    %cond3A_413 = arith.cmpi ne, %convert_element_type3A_411, %cond3A_412 : i32
    scf.if %cond3A_413 {
      %mul3A_419 = arith.constant 1280 : i32
      %mul3A_420 = arith.muli %arg1, %mul3A_419 : i32
      "tpu.region"() ({
        %run_scoped3A = tpu.sem_alloc : memref<!tpu.dma_semaphore, #tpu.memory_space<semaphore_mem>>
        %dma_start3A_426 = tpu.memref_slice %arg14[%mul3A_420] : memref<10240xf32, #tpu.memory_space<vmem_shared>> -> memref<1280xf32, #tpu.memory_space<vmem_shared>>
        %dma_start3A_427 = tpu.memref_slice %arg14[%mul3A_420] : memref<10240xf32, #tpu.memory_space<vmem_shared>> -> memref<1280xf32, #tpu.memory_space<vmem_shared>>
        tpu.enqueue_dma source(%dma_start3A_427 : memref<1280xf32, #tpu.memory_space<vmem_shared>>) target(%arg11 : memref<1280xf32, #tpu.memory_space<vmem>>) target_semaphore(%run_scoped3A : memref<!tpu.dma_semaphore, #tpu.memory_space<semaphore_mem>>)
        %dma_wait3A_428 = tpu.memref_slice %arg14[%mul3A_420] : memref<10240xf32, #tpu.memory_space<vmem_shared>> -> memref<1280xf32, #tpu.memory_space<vmem_shared>>
        %dma_wait3A_429 = tpu.memref_slice %arg14[%mul3A_420] : memref<10240xf32, #tpu.memory_space<vmem_shared>> -> memref<1280xf32, #tpu.memory_space<vmem_shared>>
        tpu.wait_dma2 semaphore(%run_scoped3A : memref<!tpu.dma_semaphore, #tpu.memory_space<semaphore_mem>>) src(%dma_wait3A_429 : memref<1280xf32, #tpu.memory_space<vmem_shared>>) dst(%arg11 : memref<1280xf32, #tpu.memory_space<vmem>>)
        tpu.yield
      }) : () -> ()
      %mul3A_421 = arith.constant 10000 : i32
      %mul3A_422 = arith.muli %arg0, %mul3A_421 : i32
      %mul3A_423 = arith.constant 1280 : i32
      %mul3A_424 = arith.muli %arg1, %mul3A_423 : i32
      %add3A_425 = arith.addi %mul3A_422, %mul3A_424 : i32
      "tpu.region"() ({
        %run_scoped3A = tpu.sem_alloc : memref<!tpu.dma_semaphore, #tpu.memory_space<semaphore_mem>>
        %dma_start3A_426 = tpu.memref_slice %arg6[%add3A_425] : memref<20000xf32, #tpu.memory_space<hbm>> -> memref<1280xf32, #tpu.memory_space<hbm>>
        %dma_start3A_427 = tpu.memref_slice %arg6[%add3A_425] : memref<20000xf32, #tpu.memory_space<hbm>> -> memref<1280xf32, #tpu.memory_space<hbm>>
        tpu.enqueue_dma source(%arg11 : memref<1280xf32, #tpu.memory_space<vmem>>) target(%dma_start3A_427 : memref<1280xf32, #tpu.memory_space<hbm>>) target_semaphore(%run_scoped3A : memref<!tpu.dma_semaphore, #tpu.memory_space<semaphore_mem>>)
        %dma_wait3A_428 = tpu.memref_slice %arg6[%add3A_425] : memref<20000xf32, #tpu.memory_space<hbm>> -> memref<1280xf32, #tpu.memory_space<hbm>>
        %dma_wait3A_429 = tpu.memref_slice %arg6[%add3A_425] : memref<20000xf32, #tpu.memory_space<hbm>> -> memref<1280xf32, #tpu.memory_space<hbm>>
        tpu.wait_dma2 semaphore(%run_scoped3A : memref<!tpu.dma_semaphore, #tpu.memory_space<semaphore_mem>>) src(%arg11 : memref<1280xf32, #tpu.memory_space<vmem>>) dst(%dma_wait3A_429 : memref<1280xf32, #tpu.memory_space<hbm>>)
        tpu.yield
      }) : () -> ()
    } else {
    }
    %eq3A_414 = arith.constant 7 : i32
    %eq3A_415 = arith.cmpi eq, %arg1, %eq3A_414 : i32
    %convert_element_type3A_416 = arith.extui %eq3A_415 : i1 to i32
    %cond3A_417 = arith.constant 0 : i32
    %cond3A_418 = arith.cmpi ne, %convert_element_type3A_416, %cond3A_417 : i32
    scf.if %cond3A_418 {
      "tpu.region"() ({
        %run_scoped3A = tpu.sem_alloc : memref<!tpu.dma_semaphore, #tpu.memory_space<semaphore_mem>>
        %dma_start3A_423 = arith.constant 0 : i32
        %dma_start3A_424 = tpu.memref_slice %arg11[%dma_start3A_423] : memref<1280xf32, #tpu.memory_space<vmem>> -> memref<1040xf32, #tpu.memory_space<vmem>>
        %dma_start3A_425 = arith.constant 8960 : i32
        %dma_start3A_426 = tpu.memref_slice %arg14[%dma_start3A_425] : memref<10240xf32, #tpu.memory_space<vmem_shared>> -> memref<1040xf32, #tpu.memory_space<vmem_shared>>
        %dma_start3A_427 = arith.constant 0 : i32
        %dma_start3A_428 = tpu.memref_slice %arg11[%dma_start3A_427] : memref<1280xf32, #tpu.memory_space<vmem>> -> memref<1040xf32, #tpu.memory_space<vmem>>
        %dma_start3A_429 = arith.constant 8960 : i32
        %dma_start3A_430 = tpu.memref_slice %arg14[%dma_start3A_429] : memref<10240xf32, #tpu.memory_space<vmem_shared>> -> memref<1040xf32, #tpu.memory_space<vmem_shared>>
        tpu.enqueue_dma source(%dma_start3A_430 : memref<1040xf32, #tpu.memory_space<vmem_shared>>) target(%dma_start3A_428 : memref<1040xf32, #tpu.memory_space<vmem>>) target_semaphore(%run_scoped3A : memref<!tpu.dma_semaphore, #tpu.memory_space<semaphore_mem>>)
        %dma_wait3A_431 = arith.constant 0 : i32
        %dma_wait3A_432 = tpu.memref_slice %arg11[%dma_wait3A_431] : memref<1280xf32, #tpu.memory_space<vmem>> -> memref<1040xf32, #tpu.memory_space<vmem>>
        %dma_wait3A_433 = arith.constant 8960 : i32
        %dma_wait3A_434 = tpu.memref_slice %arg14[%dma_wait3A_433] : memref<10240xf32, #tpu.memory_space<vmem_shared>> -> memref<1040xf32, #tpu.memory_space<vmem_shared>>
        %dma_wait3A_435 = arith.constant 0 : i32
        %dma_wait3A_436 = tpu.memref_slice %arg11[%dma_wait3A_435] : memref<1280xf32, #tpu.memory_space<vmem>> -> memref<1040xf32, #tpu.memory_space<vmem>>
        %dma_wait3A_437 = arith.constant 8960 : i32
        %dma_wait3A_438 = tpu.memref_slice %arg14[%dma_wait3A_437] : memref<10240xf32, #tpu.memory_space<vmem_shared>> -> memref<1040xf32, #tpu.memory_space<vmem_shared>>
        tpu.wait_dma2 semaphore(%run_scoped3A : memref<!tpu.dma_semaphore, #tpu.memory_space<semaphore_mem>>) src(%dma_wait3A_438 : memref<1040xf32, #tpu.memory_space<vmem_shared>>) dst(%dma_wait3A_436 : memref<1040xf32, #tpu.memory_space<vmem>>)
        tpu.yield
      }) : () -> ()
      %mul3A_419 = arith.constant 10000 : i32
      %mul3A_420 = arith.muli %arg0, %mul3A_419 : i32
      %add3A_421 = arith.constant 8960 : i32
      %add3A_422 = arith.addi %mul3A_420, %add3A_421 : i32
      "tpu.region"() ({
        %run_scoped3A = tpu.sem_alloc : memref<!tpu.dma_semaphore, #tpu.memory_space<semaphore_mem>>
        %dma_start3A_423 = arith.constant 0 : i32
        %dma_start3A_424 = tpu.memref_slice %arg11[%dma_start3A_423] : memref<1280xf32, #tpu.memory_space<vmem>> -> memref<1040xf32, #tpu.memory_space<vmem>>
        %dma_start3A_425 = tpu.memref_slice %arg6[%add3A_422] : memref<20000xf32, #tpu.memory_space<hbm>> -> memref<1040xf32, #tpu.memory_space<hbm>>
        %dma_start3A_426 = tpu.memref_slice %arg6[%add3A_422] : memref<20000xf32, #tpu.memory_space<hbm>> -> memref<1040xf32, #tpu.memory_space<hbm>>
        %dma_start3A_427 = arith.constant 0 : i32
        %dma_start3A_428 = tpu.memref_slice %arg11[%dma_start3A_427] : memref<1280xf32, #tpu.memory_space<vmem>> -> memref<1040xf32, #tpu.memory_space<vmem>>
        tpu.enqueue_dma source(%dma_start3A_428 : memref<1040xf32, #tpu.memory_space<vmem>>) target(%dma_start3A_426 : memref<1040xf32, #tpu.memory_space<hbm>>) target_semaphore(%run_scoped3A : memref<!tpu.dma_semaphore, #tpu.memory_space<semaphore_mem>>)
        %dma_wait3A_429 = arith.constant 0 : i32
        %dma_wait3A_430 = tpu.memref_slice %arg11[%dma_wait3A_429] : memref<1280xf32, #tpu.memory_space<vmem>> -> memref<1040xf32, #tpu.memory_space<vmem>>
        %dma_wait3A_431 = tpu.memref_slice %arg6[%add3A_422] : memref<20000xf32, #tpu.memory_space<hbm>> -> memref<1040xf32, #tpu.memory_space<hbm>>
        %dma_wait3A_432 = tpu.memref_slice %arg6[%add3A_422] : memref<20000xf32, #tpu.memory_space<hbm>> -> memref<1040xf32, #tpu.memory_space<hbm>>
        %dma_wait3A_433 = arith.constant 0 : i32
        %dma_wait3A_434 = tpu.memref_slice %arg11[%dma_wait3A_433] : memref<1280xf32, #tpu.memory_space<vmem>> -> memref<1040xf32, #tpu.memory_space<vmem>>
        tpu.wait_dma2 semaphore(%run_scoped3A : memref<!tpu.dma_semaphore, #tpu.memory_space<semaphore_mem>>) src(%dma_wait3A_434 : memref<1040xf32, #tpu.memory_space<vmem>>) dst(%dma_wait3A_432 : memref<1040xf32, #tpu.memory_space<hbm>>)
        tpu.yield
      }) : () -> ()
    } else {
    }
    "tpu.trace_stop"() : () -> ()
    return
  }
}

module attributes {stable_mosaic.version = 14 : i64} {
  func.func @_tc_combine_body(%arg0: i32, %arg1: memref<400x128xf32, #tpu.memory_space<vmem>>, %arg2: memref<400x128xf32, #tpu.memory_space<vmem>>, %arg3: memref<400x1xf32, #tpu.memory_space<vmem>>, %arg4: memref<400x1xf32, #tpu.memory_space<vmem>>, %arg5: memref<400x128xf32, #tpu.memory_space<vmem>>, %arg6: memref<400x128xf32, #tpu.memory_space<vmem>>) attributes {dimension_semantics = [#tpu.dimension_semantics<arbitrary>], iteration_bounds = array<i64: 25>, scalar_prefetch = 0 : i64, scratch_operands = 0 : i64, tpu.core_type = #tpu.core_type<tc>, window_params = [{transform_indices = @transform_0, window_bounds = array<i64: 400, 128>}, {transform_indices = @transform_1, window_bounds = array<i64: 400, 128>}, {transform_indices = @transform_2, window_bounds = array<i64: 400, 1>}, {transform_indices = @transform_3, window_bounds = array<i64: 400, 1>}, {transform_indices = @transform_4, window_bounds = array<i64: 400, 128>}, {transform_indices = @transform_5, window_bounds = array<i64: 400, 128>}]} {
    %get3A = arith.constant 0 : index
    %get3A_0 = arith.constant 0 : index
    %get3A_1 = vector.load %arg3[%get3A, %get3A_0] : memref<400x1xf32, #tpu.memory_space<vmem>>, vector<400x1xf32>
    %get3A_2 = arith.constant 0 : index
    %get3A_3 = arith.constant 0 : index
    %get3A_4 = vector.load %arg4[%get3A_2, %get3A_3] : memref<400x1xf32, #tpu.memory_space<vmem>>, vector<400x1xf32>
    %add3A = arith.addf %get3A_1, %get3A_4 : vector<400x1xf32>
    %get3A_5 = arith.constant 0 : index
    %get3A_6 = arith.constant 0 : index
    %get3A_7 = vector.load %arg1[%get3A_5, %get3A_6] : memref<400x128xf32, #tpu.memory_space<vmem>>, vector<400x128xf32>
    %get3A_8 = arith.constant 0 : index
    %get3A_9 = arith.constant 0 : index
    %get3A_10 = vector.load %arg2[%get3A_8, %get3A_9] : memref<400x128xf32, #tpu.memory_space<vmem>>, vector<400x128xf32>
    %add3A_11 = arith.addf %get3A_7, %get3A_10 : vector<400x128xf32>
    %get3A_12 = arith.constant 0 : index
    %get3A_13 = arith.constant 0 : index
    %get3A_14 = vector.load %arg5[%get3A_12, %get3A_13] : memref<400x128xf32, #tpu.memory_space<vmem>>, vector<400x128xf32>
    %mul3A = vector.broadcast %add3A : vector<400x1xf32> to vector<400x128xf32>
    %mul3A_15 = arith.mulf %mul3A, %get3A_14 : vector<400x128xf32>
    %add3A_16 = arith.addf %add3A_11, %mul3A_15 : vector<400x128xf32>
    %swap3A = arith.constant 0 : index
    %swap3A_17 = arith.constant 0 : index
    %swap3A_18 = vector.load %arg6[%swap3A, %swap3A_17] : memref<400x128xf32, #tpu.memory_space<vmem>>, vector<400x128xf32>
    tpu.vector_store %arg6[%swap3A, %swap3A_17], %add3A_16 {strides = array<i32>} : memref<400x128xf32, #tpu.memory_space<vmem>>, vector<400x128xf32>,
    return
  }
  func.func @transform_0(%arg0: i32) -> (i32, i32) {
    %c0_i32 = arith.constant 0 : i32
    %c0_i32_0 = arith.constant 0 : i32
    return %arg0, %c0_i32 : i32, i32
  }
  func.func @transform_1(%arg0: i32) -> (i32, i32) {
    %add3A = arith.constant 25 : i32
    %add3A_0 = arith.addi %arg0, %add3A : i32
    %c0_i32 = arith.constant 0 : i32
    %c0_i32_1 = arith.constant 0 : i32
    return %add3A_0, %c0_i32 : i32, i32
  }
  func.func @transform_2(%arg0: i32) -> (i32, i32) {
    %c0_i32 = arith.constant 0 : i32
    %c0_i32_0 = arith.constant 0 : i32
    return %arg0, %c0_i32 : i32, i32
  }
  func.func @transform_3(%arg0: i32) -> (i32, i32) {
    %add3A = arith.constant 25 : i32
    %add3A_0 = arith.addi %arg0, %add3A : i32
    %c0_i32 = arith.constant 0 : i32
    %c0_i32_1 = arith.constant 0 : i32
    return %add3A_0, %c0_i32 : i32, i32
  }
  func.func @transform_4(%arg0: i32) -> (i32, i32) {
    %c0_i32 = arith.constant 0 : i32
    %c0_i32_0 = arith.constant 0 : i32
    return %arg0, %c0_i32 : i32, i32
  }
  func.func @transform_5(%arg0: i32) -> (i32, i32) {
    %c0_i32 = arith.constant 0 : i32
    %c0_i32_0 = arith.constant 0 : i32
    return %arg0, %c0_i32 : i32, i32
  }
}

</mosaic_0001>

<sc_bundles>
// kernel: kernel.4.cloned.1.call-start
scs
__scs_entry_jumppad:
0x0: {  	(pc) =	sbr.rel $0x88, $3  }
0x1: {  	(tag) =	ssettag $0x0;
	lr =	simm.s32 $0x1  }
0x2: {  	[smem:$0x3F9F] =	sst lr;
	_ =	strace $0xD0000000  }
0x3: {  	_ = 	snop  }
0x4: {  	_ = 	snop  }
0x5: {  	_ = 	snop  }
0x6: {  	_ = 	snop  }
0x7: {  	_ = 	snop  }
__scs_overlays_trampoline_lowered:
0x8: {  	[smem:$0x3FAE] =	sst s0  }
0x9: {  	[smem:$0x3FAF] =	sst s1  }
0xa: {  	[smem:$0x3FB0] =	sst s2  }
0xb: {  	[smem:$0x3FB1] =	sst s3  }
0xc: {  	[smem:$0x3FB2] =	sst s4  }
0xd: {  	[smem:$0x3FB3] =	sst s5  }
0xe: {  	[smem:$0x3FB4] =	sst s6  }
0xf: {  	[smem:$0x3FB5] =	sst s7  }
0x10: {  	[smem:$0x3FB6] =	sst s8  }
0x11: {  	[smem:$0x3FB7] =	sst s9;
	s0 =	simm.s32 @!p0 $0x0  }
0x12: {  	s1 =	sld [smem:$0x3F9D];
	s0 =	simm.s32 @p0 $0x1  }
0x13: {  	[smem:$0x3FB8] =	sst s0;
	s0 =	simm.s32 @!p1 $0x0  }
0x14: {  	s2 =	sld [smem:$0x3F9C];
	s0 =	simm.s32 @p1 $0x1  }
0x15: {  	[smem:$0x3FB9] =	sst s0;
	s0 =	simm.s32 @!p2 $0x0  }
0x16: {  	s3 =	sld [smem:$0x3FDB];
	s0 =	simm.s32 @p2 $0x1  }
0x17: {  	s4 =	simm.s32 $0x1BF5;
	[smem:$0x3FBB] =	sst s0  }
0x18: {  	s0 =	sld [smem:$0x3F9E];
	_ =	swait.ge [sflag:s4], $0x0  }
0x19: {  	s7 =	sld [smem:$0x3F9F]  }
0x1a: {  	s8 =	sadd.s32 $0xFFFFE003, lr  }
0x1b: {  	s9 =	sadd.s32 $0xFFFFFEF7, lr;
	s5 =	simm.s32 $0xFFFFFFFF;
	p2 =	slt.u32 s8, $0xFFFFF086  }
0x1c: {  	p1 =	slt.u32 s9, $0xF7A;
	s5 =	simm.s32 @!p2 $0x0  }
0x1d: {  	s5 =	simm.s32 @p1 $0x1;
	p0 =	seq.s32 s7, s2  }
0x1e: {  	s7 =	smul.u32 @!p0 $0xF7A, s2;
	p2 =	seq.s32 @!p0 s5, $0x0  }
0x1f: {  	s9 =	smul.u32 $0xF7A, s1;
	s8 =	simm.s32 @!p0 $0x1BF5;
	p2 =	por !p2, p0  }
0x20: {  	[sflag:s8] =	ssyncset.s32 @!p0 $0xFFFFF086;
	s6 =	sadd.s32 @!p0 s3, s7;
	s7 =	simm.s32 @!p0 $0x108  }
0x21: {  	s3 =	sadd.s32 s3, s9;
	s6 =	sadd.s32 @!p0 $0x88, s6;
	s7 =	simm.s32 @p2 $0x1082  }
0x22: {  	[simem:s7], [sflag:s8] =	dma.local @!p0 [hbm:s6], $0xF7A  }
0x23: {  	s9 =	sor.u32 $0xD0000000, s2;
	s6 =	simm.s32 $0x108;
	_ =	swait.ge @!p0 [sflag:s8], $0x0  }
0x24: {  	s3 =	sadd.s32 $0x88, s3;
	s6 =	simm.s32 @!p1 $0x1082;
	[sflag:s4] =	ssyncset.s32 $0xFFFFF086  }
0x25: {  	[simem:s6], [sflag:s4] =	dma.local [hbm:s3], $0xF7A  }
0x26: {  	[smem:$0x3F9F] =	sst s1;
	(tag) =	ssettag s2;
	_ =	strace s9  }
0x27: {  	s1 =	sld [smem:$0x3FAF]  }
0x28: {  	s2 =	sld [smem:$0x3FB0]  }
0x29: {  	s4 =	sld [smem:$0x3FB2]  }
0x2a: {  	p0 =	seq.s32 s5, $0x0;
	s5 =	sld [smem:$0x3FB3]  }
0x2b: {  	s6 =	sld [smem:$0x3FB4]  }
0x2c: {  	s7 =	sld [smem:$0x3FB5]  }
0x2d: {  	s3 =	simm.s32 $0x108;
	s8 =	sld [smem:$0x3FB6]  }
0x2e: {  	s3 =	simm.s32 @!p0 $0x1082;
	s9 =	sld [smem:$0x3FB7]  }
0x2f: {  	lr =	sadd.s32 s0, s3;
	s0 =	sld [smem:$0x3FAE]  }
0x30: {  	s3 =	sld [smem:$0x3FB1]  }
0x31: {  	[smem:$0x3FBA] =	sst s10  }
0x32: {  	s10 =	sld [smem:$0x3FB8];
	_ =	sdelay $0x3  }
0x33: {  	p0 =	seq.s32 s10, $0x1;
	s10 =	sld [smem:$0x3FBA];
	_ =	sdelay $0x3  }
0x34: {  	[smem:$0x3FBA] =	sst s10  }
0x35: {  	s10 =	sld [smem:$0x3FB9];
	_ =	sdelay $0x3  }
0x36: {  	p1 =	seq.s32 s10, $0x1;
	s10 =	sld [smem:$0x3FBA];
	_ =	sdelay $0x3  }
0x37: {  	[smem:$0x3FBA] =	sst s10  }
0x38: {  	s10 =	sld [smem:$0x3FBB]  }
0x39: {  	_ = 	snop;
	(pc) =	sbr.ind lr, $3  }
0x3a: {  	_ = 	snop  }
0x3b: {  	_ = 	snop  }
0x3c: {  	p2 =	seq.s32 s10, $0x1;
	s10 =	sld [smem:$0x3FBA]  }
0x3d: {  	_ =	shalt  }
0x3e: {  	_ =	shalt  }
0x3f: {  	_ =	shalt  }
0x40: {  	_ =	shalt  }
0x41: {  	_ =	shalt  }
0x42: {  	_ =	shalt  }
0x43: {  	_ =	shalt  }
0x44: {  	_ =	shalt  }
0x45: {  	_ =	shalt  }
0x46: {  	_ =	shalt  }
0x47: {  	_ =	shalt  }
0x48: {  	_ =	shalt  }
0x49: {  	_ =	shalt  }
0x4a: {  	_ =	shalt  }
0x4b: {  	_ =	shalt  }
0x4c: {  	_ =	shalt  }
0x4d: {  	_ =	shalt  }
0x4e: {  	_ =	shalt  }
0x4f: {  	_ =	shalt  }
0x50: {  	_ =	shalt  }
0x51: {  	_ =	shalt  }
0x52: {  	_ =	shalt  }
0x53: {  	_ =	shalt  }
0x54: {  	_ =	shalt  }
0x55: {  	_ =	shalt  }
0x56: {  	_ =	shalt  }
0x57: {  	_ =	shalt  }
0x58: {  	_ =	shalt  }
0x59: {  	_ =	shalt  }
0x5a: {  	_ =	shalt  }
0x5b: {  	_ =	shalt  }
0x5c: {  	_ =	shalt  }
0x5d: {  	_ =	shalt  }
0x5e: {  	_ =	shalt  }
0x5f: {  	_ =	shalt  }
0x60: {  	_ =	shalt  }
0x61: {  	_ =	shalt  }
0x62: {  	_ =	shalt  }
0x63: {  	_ =	shalt  }
0x64: {  	_ =	shalt  }
0x65: {  	_ =	shalt  }
0x66: {  	_ =	shalt  }
0x67: {  	_ =	shalt  }
0x68: {  	_ =	shalt  }
0x69: {  	_ =	shalt  }
0x6a: {  	_ =	shalt  }
0x6b: {  	_ =	shalt  }
0x6c: {  	_ =	shalt  }
0x6d: {  	_ =	shalt  }
0x6e: {  	_ =	shalt  }
0x6f: {  	_ =	shalt  }
0x70: {  	_ =	shalt  }
0x71: {  	_ =	shalt  }
0x72: {  	_ =	shalt  }
0x73: {  	_ =	shalt  }
0x74: {  	_ =	shalt  }
0x75: {  	_ =	shalt  }
0x76: {  	_ =	shalt  }
0x77: {  	_ =	shalt  }
0x78: {  	_ =	shalt  }
0x79: {  	_ =	shalt  }
0x7a: {  	_ =	shalt  }
0x7b: {  	_ =	shalt  }
0x7c: {  	_ =	shalt  }
0x7d: {  	_ =	shalt  }
0x7e: {  	_ =	shalt  }
0x7f: {  	_ =	shalt  }
0x80: {  	_ =	shalt  }
0x81: {  	_ =	shalt  }
0x82: {  	_ =	shalt  }
0x83: {  	_ =	shalt  }
0x84: {  	_ =	shalt  }
0x85: {  	_ =	shalt  }
0x86: {  	_ =	shalt  }
0x87: {  	_ =	shalt  }
.Lfunc_end0:
.L_simem_size_0:
called_computation_lowered:
.L_overlay_start_0:
0x88: {  	s2 =	sld [smem:$0x3FD9]  }
0x89: {  	s3 =	sld [smem:$0x3FFE];
	_ =	sdelay $0x1  }
0x8a: {  	s1 =	srdreg.scid  }
0x8b: {  	s0 =	sand.u32 $0x1, s1  }
0x8c: {  	s17 =	sshll.u32 s0, $0xA;
	s2 =	sadd.s32 s3, s2  }
0x8d: {  	s2 =	sadd.s32 s2, s17  }
0x8e: {  	[smem:$0x3FC6] =	sst s2  }
0x8f: {  	_ = 	snop  }
0x90: {  	s2 =	sld [smem:$0x3FC9]  }
0x91: {  	s18 =	sld [smem:$0x3FD0];
	(tm) =	ssettm $0x1  }
0x92: {  	s4 =	sld [smem:$0x3FFB];
	_ =	sdelay $0x3  }
0x93: {  	_ =	strace s4  }
0x94: {  	s4 =	sld [smem:$0x3FFC];
	_ =	sdelay $0x3  }
0x95: {  	_ =	strace s4  }
0x96: {  	s4 =	sld [smem:$0x3FFD];
	_ =	sdelay $0x3  }
0x97: {  	_ =	strace s4  }
0x98: {  	_ =	strace $0x8FFFFFFF  }
0x99: {  	s19 =	sld [smem:$0x3FDB];
	_ =	sdelay $0x1  }
0x9a: {  	s5 =	simm.s32 $_scs_section_size  }
0x9b: {  	s6 =	simm.s32 $_size__tile_overlayer_lowered;
	s7 =	simm.s32 $_tile_overlayer_lowered  }
0x9c: {  	s22 =	simm.s32 $0x1BFF;
	s21 =	sshll.u32 s7, $0x1;
	s4 =	sadd.s32 s5, s19  }
0x9d: {  	s8 =	simm.s32 $0x0;
	s20 =	sshll.u32 s6, $0x1;
	s6 =	sadd.s32 s21, s4  }
0x9e: {  	[timem:s8], [sflag:s22] =	dma.local [hbm:s6], s20  }
0x9f: {  	_ =	swait.ge [sflag:s22], s20  }
0xa0: {  	s5 =	ssub.s32 $0x0, s20;
	[sflag:s22] =	ssyncset.done $0x0  }
0xa1: {  	[sflag:s22] =	ssyncadd.s32 s5;
	_ =	sdelay $0x1  }
0xa2: {  	s23 =	simm.s32 $0x1B8B  }
0xa3: {  	_ =	swait.ge [sflag:s23], $0x1  }
0xa4: {  	[sflag:s23] =	ssyncset.done $0x0  }
0xa5: {  	s25 =	simm.s32 $0x1B8E;
	s24 =	sld [smem:$0x3FFE];
	[sflag:s23] =	ssyncadd.s32 $0xFFFFFFFF  }
0xa6: {  	s26 =	simm.s32 $execute0_lowered;
	[smem:$0x3FD2] =	sst s25  }
0xa7: {  	s6 =	sshll.u32 s26, $0x1;
	_ =	strace $0x80000046;
	[dreg:$0x1] =	wrdreg $0xFFFFFFFF  }
0xa8: {  	s28 =	simm.s32 $_size_execute0_lowered;
	s4 =	sadd.s32 s4, s6;
	[dreg:$0x0] =	wrdreg $0x0  }
0xa9: {  	s6 =	sshll.u32 s28, $0x1;
	[dreg:$0x2] =	wrdreg s4  }
0xaa: {  	[dreg:$0x3] =	wrdreg s6  }
0xab: {  	[dreg:$0x4] =	wrdreg $0xC0  }
0xac: {  	_ =	task [dreg:s8], $0x5FFFF  }
0xad: {  	[dreg:$0x1] =	wrdreg $0xFFFFFFFF  }
0xae: {  	[dreg:$0x0] =	wrdreg $0x60  }
0xaf: {  	[dreg:$0x2] =	wrdreg s2  }
0xb0: {  	[dreg:$0x3] =	wrdreg s24  }
0xb1: {  	[dreg:$0x4] =	wrdreg s18  }
0xb2: {  	[dreg:$0x5] =	wrdreg $0x91800  }
0xb3: {  	[dreg:$0x6] =	wrdreg $0x1CA800  }
0xb4: {  	[dreg:$0x7] =	wrdreg $0x9  }
0xb5: {  	_ =	task.clear_ibuf [dreg:s8], $0x8FFFF;
	_ =	strace $0x90000046  }
0xb6: {  	s29 =	simm.s32 $0x9;
	_ =	strace $0x8000004D  }
0xb7: {  	_ =	swait.ge [sflag:s29], $0x1  }
0xb8: {  	[sflag:s29] =	ssyncadd.s32 $0xFFFFFFFF  }
0xb9: {  	_ =	strace $0x9000004D  }
0xba: {  	_ =	sfence  }
0xbb: {  	s30 =	sld [smem:$0x0];
	_ =	sdelay $0x2  }
0xbc: {  	s31 =	sshll.u32 s1, $0xD;
	s1 =	sshrl.u32 s1, $0x2  }
0xbd: {  	s3 =	sand.u32 $0x4000, s31;
	s1 =	sadd.s32 s1, s30  }
0xbe: {  	s0 =	sor.u32 s3, s0;
	s1 =	sshll.u32 s1, $0x11  }
0xbf: {  	s0 =	sor.u32 s1, s0  }
0xc0: {  	s0 =	sadd.s32 $0x8F2B, s0  }
0xc1: {  	[sflag:s0] =	ssyncadd.remote.s32 $0x1  }
0xc2: {  	_ =	sfence.sel $0xFFFF  }
0xc3: {  	[dreg:$0x0] =	wrdreg $0xFFFFFFFF;
	(pc) =	sbr.abs _section_cstart, $3  }
0xc4: {  	[dreg:$0x1] =	wrdreg $0xFFFFFFFF  }
0xc5: {  	_ =	task.clear_ibuf [dreg:s8], $0x2FFFF;
	_ =	strace $0x9FFFFFFF  }
0xc6: {  	(tm) =	ssettm $0x7FFFFFFF  }
0xc7: {  	_ =	shalt  }
tec
execute0_lowered:
.L_overlay_start_1:
0x0: {  	(tag) =	ssettag $0x1  }
0x1: {  	s1 =	rddreg [dreg:$0x0]  }
0x2: {  	s0 =	rddreg [dreg:$0x1]  }
0x3: {  	s7 =	rddreg [dreg:$0x2];
	s6 =	stileid.u32  }
0x4: {  	s3 =	rddreg [dreg:$0x3];
	s10 =	smul.u32 $0x1400, s6  }
0x5: {  	s4 =	rddreg [dreg:$0x4];
	s15 =	smul.u32 $0x2700, s6  }
0x6: {  	s5 =	simm.s32 $0x0;
	s2 =	srdreg.scid;
	s29 =	smul.u32 $0x500, s6  }
0x7: {  	[smem:$0x7FF] =	sst s5;
	s2 =	sand.u32 $0x1, s2;
	s21 =	smul.u32 $0x4E000, s6  }
0x8: {  	s18 =	sadd.s32 $0x1400, s0;
	s11 =	sadd.s32 $0xBC00, s0;
	s14 =	smul.u32 $0x27100, s2  }
0x9: {  	s0 =	sadd.s32 $0xB200, s0;
	_ =	strace $0x80000047;
	s16 =	smul.u32 $0x2710, s2  }
0xa: {  	s8 =	sshll.u32 s2, $0x4;
	s9 =	ssub.s32 $0x2, s2;
	s17 =	smul.u32 $0x138800, s2  }
0xb: {  	s2 =	smul.u32 $0x27000, s2;
	[dreg:$0x8] =	wrdreg s18;
	s8 =	sor.u32 s6, s8  }
0xc: {  	s12 =	sshrl.u32 s9, $0x1;
	s10 =	sshrl.u32 s10, $0x2;
	s13 =	smul.u32 $0x4E0, s8  }
0xd: {  	s9 =	ssub.s32 s9, s12;
	s10 =	sadd.s32 s10, s4;
	s24 =	smul.u32 $0x2700, s8  }
0xe: {  	p0 =	seq.s32 s8, $0x1F;
	s14 =	sadd.s32 s15, s14;
	s30 =	sshrl.u32 s16, $0x3  }
0xf: {  	s16 =	sadd.s32 s29, s16;
	s17 =	sshrl.u32 s17, $0x3;
	s2 =	sadd.s32 s15, s2  }
0x10: {  	s15 =	simm.s32 $0x6;
	[dreg:$0x9] =	wrdreg s10;
	s14 =	sadd.s32 s11, s14  }
0x11: {  	s16 =	sshrl.u32 s16, $0x3;
	s31 =	sadd.s32 s11, s17;
	s11 =	simm.s32 $0x4400  }
0x12: {  	s23 =	sadd.s32 s18, s13;
	s25 =	sadd.s32 s7, s13;
	s26 =	sor.u32 $0x10, s13  }
0x13: {  	s10 =	sshrl.u32 s24, $0x3;
	[dreg:$0xe] =	wrdreg s14;
	s14 =	sadd.s32 s0, s30  }
0x14: {  	s0 =	sadd.s32 s0, s16;
	s16 =	simm.s32 $0x7;
	[dreg:$0xa] =	wrdreg s23  }
0x15: {  	[dreg:$0xb] =	wrdreg s25;
	s13 =	sadd.s32 s18, s26;
	s12 =	sadd.s32 s7, s26  }
0x16: {  	s28 =	sadd.s32 $0x20, s10;
	[dreg:$0xf] =	wrdreg s0;
	s10 =	sadd.s32 $0x30, s10  }
0x17: {  	s23 =	sshrl.u32 s21, $0x2;
	s24 =	sadd.s32 $0x460, s14;
	[dreg:$0xc] =	wrdreg s13  }
0x18: {  	s25 =	sadd.s32 s29, s4;
	s0 =	sadd.s32 $0x24900, s31;
	[dreg:$0xd] =	wrdreg s12  }
0x19: {  	s26 =	sshll.u32 s6, $0xB;
	s29 =	sadd.s32 $0x280, s2;
	[dreg:$0x14] =	wrdreg s24  }
0x1a: {  	s2 =	sadd.s32 $0x200, s2;
	s31 =	sadd.s32 $0x2300, s4;
	[dreg:$0x15] =	wrdreg s25  }
0x1b: {  	s14 =	simm.s32 $0x9100;
	s13 =	simm.s32 $0x52;
	[dreg:$0x16] =	wrdreg s0  }
0x1c: {  	s20 =	sadd.s32 s18, s28;
	s12 =	sadd.s32 s7, s28;
	[dreg:$0x1c] =	wrdreg s31  }
0x1d: {  	s22 =	sadd.s32 s18, s10;
	s7 =	sadd.s32 s7, s10;
	[dreg:$0x10] =	wrdreg s20  }
0x1e: {  	s10 =	sadd.s32 s23, s3;
	s28 =	smax.u32 s9, $0x1;
	[dreg:$0x11] =	wrdreg s12  }
0x1f: {  	s0 =	sadd.s32 s26, s3;
	s25 =	sshrl.u32 s29, $0x3;
	[dreg:$0x12] =	wrdreg s22  }
0x20: {  	s26 =	sshrl.u32 s2, $0x3;
	s9 =	simm.s32 $0x400;
	[dreg:$0x13] =	wrdreg s7  }
0x21: {  	s18 =	simm.s32 $0x8;
	s13 =	simm.s32 @!p0 $0x4E;
	[dreg:$0x17] =	wrdreg s28  }
0x22: {  	p0 =	sne.s32 s6, $0xF;
	[dreg:$0x18] =	wrdreg s0;
	s17 =	sadd.s32 $0xFFFFFFFC, s13  }
0x23: {  	s12 =	simm.s32 $0x5;
	s19 =	sadd.s32 $0xFFFFFFFB, s13;
	[dreg:$0x6] =	wrdreg s17  }
0x24: {  	p3 =	sgt.u32 @p0 s6, $0x6;
	s0 =	sshrl.u32 @p0 s10, $0x3;
	[dreg:$0x7] =	wrdreg s19  }
0x25: {  	s30 =	sshrl.u32 s13, $0x1;
	p1 =	por !p3, !p0;
	[dreg:$0x19] =	wrdreg s0  }
0x26: {  	s0 =	sadd.s32 $0x124800, s3;
	[dreg:$0x1b] =	wrdreg s30;
	s17 =	simm.s32 $0x9  }
0x27: {  	s19 =	simm.s32 $0xA;
	p2 =	sne.s32 @!p1 s6, $0x7;
	p1 =	sgt.u32 s6, $0x7  }
0x28: {  	s0 =	sshrl.u32 @!p0 s0, $0x3;
	p2 =	por @p0 p2, !p3;
	p3 =	por p3, !p0  }
0x29: {  	v0 =	vimm.f32 $0.0e+00;
	v1 =	vimm.f32 $1.000000000e+00;
	[dreg:$0x1a] =	wrdreg s0;
	s0 =	simm.s32 $0x80;
	p2 =	por p2, !p0  }
.LBB2_1:
0x2a: {  	p4 =	por $0x0, $0x0  }
.Ltmp0:
0x2b: {  	_ = 	snop;
	(pc) =	sbr.rel @p4 .LBB2_3-.Ltmp0, $2  }
0x2c: {  	_ =	sdelay $0x2  }
0x2d: {  	_ =	strace $0x80000048;
	s2 =	simm.s32 $0x0;
	s20 =	simm.s32 $0x200  }
.LBB2_2:
0x2e: {  	p4 =	seq.s32 s20, $0x1E00;
	[tilespmem:s2+$0x8470] =	vst v0  }
0x2f: {  	[tilespmem:s2+$0x8400] =	vst v0  }
0x30: {  	[tilespmem:s2+$0x8410] =	vst v0  }
.Ltmp1:
0x31: {  	[tilespmem:s2+$0x8420] =	vst v0;
	(pc) =	sbr.rel @!p4 .LBB2_2-.Ltmp1, $4  }
0x32: {  	[tilespmem:s2+$0x8430] =	vst v0  }
0x33: {  	[tilespmem:s2+$0x8440] =	vst v0  }
0x34: {  	[tilespmem:s2+$0x8450] =	vst v0  }
0x35: {  	[tilespmem:s2+$0x8460] =	vst v0;
	s2 =	sshra.s32 s20, $0x2;
	s20 =	sadd.s32 $0x200, s20  }
.LBB2_3:
0x36: {  	[tilespmem:s2+$0x8470] =	vst v0  }
0x37: {  	[tilespmem:s2+$0x8400] =	vst v0  }
0x38: {  	[tilespmem:s2+$0x8410] =	vst v0  }
0x39: {  	[tilespmem:s2+$0x8420] =	vst v0  }
0x3a: {  	[tilespmem:s2+$0x8430] =	vst v0  }
0x3b: {  	[tilespmem:s2+$0x8440] =	vst v0  }
0x3c: {  	[tilespmem:s2+$0x8450] =	vst v0  }
0x3d: {  	[tilespmem:s2+$0x8460] =	vst v0;
	s2 =	simm.s32 $0x40;
	s20 =	simm.s32 $0x0  }
.LBB2_4:
0x3e: {  	p4 =	seq.s32 s2, $0x13C0;
	[tilespmem:s20+$0x8C00] =	vst v0;
	s20 =	smov.u32 s2;
	s2 =	sadd.s32 $0x40, s2  }
.Ltmp2:
0x3f: {  	(pc) =	sbr.rel @!p4 .LBB2_4-.Ltmp2, $2  }
0x40: {  	_ =	sdelay $0x2  }
0x41: {  	s20 =	sshra.s32 s20, $0x2  }
0x42: {  	s2 =	sadd.s32 $0x0, s6  }
0x43: {  	p4 =	sgt.u32 s2, $0x271  }
0x44: {  	[tilespmem:s20+$0x8C00] =	vst v0;
	s7 =	rddreg [dreg:$0x18];
	s2 =	simm.s32 @!p4 $0x8400;
	s22 =	simm.s32 @!p4 $0xB  }
0x45: {  	[spmem:s7] =	stream.linear.scatter @!p4 [tilespmem:s2], [sflag:$0xB], $0x800, $0x200038;
	[tilespmem:$0x1CD00] =	vst v63  }
0x46: {  	s20 =	simm.s32 $0x10;
	_ =	swait.ge @!p4 [sflag:s22], $0x800  }
0x47: {  	s21 =	simm.s32 $0x20;
	s2 =	sadd.s32 $0x8000, s7;
	[sflag:s22] =	ssyncset.done @!p4 $0x0  }
.LBB2_6:
0x48: {  	s28 =	sadd.s32 s20, s6;
	s20 =	smov.u32 s21;
	s21 =	sadd.s32 $0x10, s21  }
0x49: {  	[sflag:s22] =	ssyncadd.s32 @!p4 $0xFFFFF800;
	p5 =	sne.s32 s21, $0x280  }
.Ltmp3:
0x4a: {  	p4 =	sgt.u32 s28, $0x271;
	(pc) =	sbr.rel @p5 .LBB2_6-.Ltmp3, $4  }
0x4b: {  	s28 =	simm.s32 @!p4 $0x8400;
	s22 =	simm.s32 @!p4 $0xB  }
0x4c: {  	[spmem:s2] =	stream.linear.scatter @!p4 [tilespmem:s28], [sflag:$0xB], $0x800, $0x200038;
	[tilespmem:$0x1CD00] =	vst v63  }
0x4d: {  	_ =	swait.ge @!p4 [sflag:s22], $0x800  }
0x4e: {  	s2 =	sadd.s32 $0x8000, s2;
	[sflag:s22] =	ssyncset.done @!p4 $0x0  }
0x4f: {  	s20 =	sadd.s32 s20, s6  }
0x50: {  	p5 =	sgt.u32 s20, $0x271  }
0x51: {  	[sflag:s22] =	ssyncadd.s32 @!p4 $0xFFFFF800;
	s20 =	simm.s32 @!p5 $0x8400;
	s21 =	simm.s32 @!p5 $0xB  }
0x52: {  	[spmem:s2] =	stream.linear.scatter @!p5 [tilespmem:s20], [sflag:$0xB], $0x800, $0x200038;
	[tilespmem:$0x1CD00] =	vst v63  }
0x53: {  	_ =	swait.ge @!p5 [sflag:s21], $0x800  }
0x54: {  	[sflag:s21] =	ssyncset.done @!p5 $0x0  }
0x55: {  	s2 =	simm.s32 @!p1 $0x8C00;
	s7 =	rddreg [dreg:$0x9];
	[sflag:s21] =	ssyncadd.s32 @!p5 $0xFFFFF800  }
0x56: {  	[spmem:s7] =	stream.linear.scatter @!p1 [tilespmem:s2], [sflag:$0xB], $0x500, $0x200038;
	[tilespmem:$0x1CD00] =	vst v63  }
0x57: {  	s2 =	simm.s32 @!p1 $0xB  }
0x58: {  	_ =	swait.ge @!p1 [sflag:s2], $0x500  }
0x59: {  	[sflag:s2] =	ssyncset.done @!p1 $0x0  }
0x5a: {  	[sflag:s2] =	ssyncadd.s32 @!p1 $0xFFFFFB00  }
0x5b: {  	[tilespmem:$0x9100] =	vst v1  }
0x5c: {  	[tilespmem:$0x9110] =	vst v1  }
0x5d: {  	[tilespmem:$0x9120] =	vst v1  }
0x5e: {  	[tilespmem:$0x9130] =	vst v1  }
0x5f: {  	[tilespmem:$0x9140] =	vst v1  }
0x60: {  	[tilespmem:$0x9150] =	vst v1  }
0x61: {  	[tilespmem:$0x9160] =	vst v1  }
0x62: {  	[tilespmem:$0x9170] =	vst v1  }
0x63: {  	_ =	strace $0x90000048  }
0x64: {  	_ =	strace $0x80000049  }
0x65: {  	[bflag:$0x0] =	sbarrier.arrive $0xFFFF  }
0x66: {  	_ =	strace $0x90000049  }
0x67: {  	_ =	strace $0x8000004A  }
0x68: {  	s2 =	simm.s32 $0x0;
	s8 =	rddreg [dreg:$0xa]  }
0x69: {  	[tilespmem:s2], [sflag:$0x1] =	stream.linear.gather [hbm4b:s8+s2], $0x80, $0x200038;
	[tilespmem:$0x1CD00] =	vst v63  }
0x6a: {  	s10 =	rddreg [dreg:$0xb];
	s8 =	simm.s32 $0x200  }
0x6b: {  	[tilespmem:s8], [sflag:$0x1] =	stream.linear.gather [hbm4b:s10+s2], $0x80, $0x200038;
	[tilespmem:$0x1CD00] =	vst v63  }
0x6c: {  	s20 =	rddreg [dreg:$0xc]  }
0x6d: {  	[tilespmem:s0], [sflag:$0x2] =	stream.linear.gather [hbm4b:s20+s2], $0x80, $0x200038;
	[tilespmem:$0x1CD00] =	vst v63  }
0x6e: {  	s22 =	simm.s32 $0x280;
	s21 =	rddreg [dreg:$0xd]  }
0x6f: {  	[tilespmem:s22], [sflag:$0x2] =	stream.linear.gather [hbm4b:s21+s2], $0x80, $0x200038;
	[tilespmem:$0x1CD00] =	vst v63  }
0x70: {  	s24 =	simm.s32 $0x100;
	s23 =	rddreg [dreg:$0x10]  }
0x71: {  	[tilespmem:s24], [sflag:$0x3] =	stream.linear.gather [hbm4b:s23+s2], $0x80, $0x200038;
	[tilespmem:$0x1CD00] =	vst v63  }
0x72: {  	s31 =	simm.s32 $0x300;
	s30 =	rddreg [dreg:$0x11]  }
0x73: {  	[tilespmem:s31], [sflag:$0x3] =	stream.linear.gather [hbm4b:s30+s2], $0x80, $0x200038;
	[tilespmem:$0x1CD00] =	vst v63  }
0x74: {  	s8 =	rddreg [dreg:$0x12];
	s10 =	simm.s32 $0x180  }
0x75: {  	[tilespmem:s10], [sflag:$0x4] =	stream.linear.gather [hbm4b:s8+s2], $0x80, $0x200038;
	[tilespmem:$0x1CD00] =	vst v63  }
0x76: {  	s20 =	rddreg [dreg:$0x13];
	s21 =	simm.s32 $0x380;
	s22 =	simm.s32 $0x1  }
0x77: {  	[tilespmem:s21], [sflag:$0x4] =	stream.linear.gather [hbm4b:s20+s2], $0x80, $0x200038;
	[tilespmem:$0x1CD00] =	vst v63  }
0x78: {  	_ =	swait.ge [sflag:s22], $0x80  }
0x79: {  	[sflag:s22] =	ssyncset.done $0x0  }
0x7a: {  	[sflag:s22] =	ssyncadd.s32 $0xFFFFFF80  }
0x7b: {  	_ =	swait.ge [sflag:s22], $0x80  }
0x7c: {  	[sflag:s22] =	ssyncset.done $0x0  }
0x7d: {  	s23 =	simm.s32 $0x2;
	[sflag:s22] =	ssyncadd.s32 $0xFFFFFF80  }
0x7e: {  	[tilespmem:s9], [sflag:$0x5] =	stream.indirect.gather [hbm4b:s1+s0], $0x80, s2, s0, $0x2000b8;
	[tilespmem:$0x1CD00] =	vst v63  }
0x7f: {  	_ =	swait.ge [sflag:s23], $0x80  }
0x80: {  	[sflag:s23] =	ssyncset.done $0x0  }
0x81: {  	[sflag:s23] =	ssyncadd.s32 $0xFFFFFF80  }
0x82: {  	_ =	swait.ge [sflag:s23], $0x80  }
0x83: {  	[sflag:s23] =	ssyncset.done $0x0  }
0x84: {  	[sflag:s23] =	ssyncadd.s32 $0xFFFFFF80  }
0x85: {  	[tilespmem:s11], [sflag:$0x6] =	stream.indirect.gather [hbm4b:s1+s0], $0x80, s0, s0, $0x2000b8;
	[tilespmem:$0x1CD00] =	vst v63  }
0x86: {  	s2 =	sand.u32 $0x2, s2;
	_ =	swait.ge [sflag:s12], $0x4000  }
0x87: {  	s20 =	sshll.u32 s2, $0x7;
	[sflag:s12] =	ssyncset.done $0x0  }
0x88: {  	s21 =	sor.u32 $0x200, s20;
	[sflag:s12] =	ssyncadd.s32 $0xFFFFC000  }
0x89: {  	[spmem:s3] =	stream.indirect.scatter.add.f32 [tilespmem:s9], [sflag:$0x7], $0x80, s21, s0, $0x2000b8;
	[tilespmem:$0x1CD00] =	vst v63  }
0x8a: {  	s24 =	simm.s32 $0x1  }
0x8b: {  	[spmem:s4] =	stream.indirect.scatter.add.f32 [tilespmem:s14], [sflag:$0x9], $0x1, s21, s0, $0x2000b8;
	[tilespmem:$0x1CD00] =	vst v63  }
0x8c: {  	s22 =	sand.u32 $0x3, s24;
	_ =	swait.ge [sflag:s15], $0x4000  }
0x8d: {  	s28 =	sshll.u32 s22, $0x7;
	[sflag:s15] =	ssyncset.done $0x0  }
0x8e: {  	s29 =	sor.u32 $0x200, s28;
	[sflag:s15] =	ssyncadd.s32 $0xFFFFC000  }
0x8f: {  	[spmem:s3] =	stream.indirect.scatter.add.f32 [tilespmem:s11], [sflag:$0x8], $0x80, s29, s0, $0x2000b8;
	[tilespmem:$0x1CD00] =	vst v63  }
0x90: {  	_ = 	snop  }
0x91: {  	[spmem:s4] =	stream.indirect.scatter.add.f32 [tilespmem:s14], [sflag:$0xA], $0x1, s29, s0, $0x2000b8;
	[tilespmem:$0x1CD00] =	vst v63  }
0x92: {  	_ =	swait.ge [sflag:s16], $0x4000  }
0x93: {  	[sflag:s16] =	ssyncset.done $0x0  }
0x94: {  	[sflag:s16] =	ssyncadd.s32 $0xFFFFC000  }
0x95: {  	_ =	swait.ge [sflag:s17], $0x80  }
0x96: {  	s30 =	rddreg [dreg:$0x6]  }
0x97: {  	[sflag:s17] =	ssyncset.done $0x0;
	p4 =	sle.u32 s30, $0x0  }
0x98: {  	s8 =	rddreg [dreg:$0x8];
	[sflag:s17] =	ssyncadd.s32 $0xFFFFFF80;
	s2 =	sadd.s32 @!p4 $0x1, s2  }
0x99: {  	s30 =	sadd.s32 @!p4 s8, s26;
	s31 =	simm.s32 @!p4 $0x0;
	s7 =	rddreg [dreg:$0x2]  }
0x9a: {  	[tilespmem:s20], [sflag:s2] =	stream.linear.gather @!p4 [hbm4b:s30+s31], $0x80, $0x200038;
	[tilespmem:$0x1CD00] =	vst v63  }
0x9b: {  	s20 =	sadd.s32 @!p4 s7, s26  }
0x9c: {  	[tilespmem:s21], [sflag:s2] =	stream.linear.gather @!p4 [hbm4b:s20+s31], $0x80, $0x200038;
	[tilespmem:$0x1CD00] =	vst v63  }
0x9d: {  	_ =	swait.ge [sflag:s18], $0x4000  }
0x9e: {  	[sflag:s18] =	ssyncset.done $0x0  }
0x9f: {  	[sflag:s18] =	ssyncadd.s32 $0xFFFFC000  }
0xa0: {  	_ =	swait.ge [sflag:s19], $0x80  }
0xa1: {  	s20 =	simm.s32 $0x2;
	s30 =	rddreg [dreg:$0x7];
	[sflag:s19] =	ssyncset.done $0x0  }
0xa2: {  	p4 =	sle.u32 s13, $0x2;
	[sflag:s19] =	ssyncadd.s32 $0xFFFFFF80;
	p5 =	sle.u32 s30, $0x0  }
0xa3: {  	s2 =	sadd.s32 @!p5 $0x1, s22;
	s21 =	sadd.s32 @!p5 s8, s25;
	s22 =	simm.s32 @!p5 $0x0  }
0xa4: {  	[tilespmem:s28], [sflag:s2] =	stream.linear.gather @!p5 [hbm4b:s21+s22], $0x80, $0x200038;
	[tilespmem:$0x1CD00] =	vst v63  }
0xa5: {  	s21 =	sand.u32 @!p4 $0x2, s20;
	s28 =	sadd.s32 @!p5 s7, s25  }
0xa6: {  	[tilespmem:s29], [sflag:s2] =	stream.linear.gather @!p5 [hbm4b:s28+s22], $0x80, $0x200038;
	[tilespmem:$0x1CD00] =	vst v63  }
0xa7: {  	s2 =	sor.u32 @!p4 $0x1, s21  }
0xa8: {  	_ =	swait.ge @!p4 [sflag:s2], $0x80  }
0xa9: {  	[sflag:s2] =	ssyncset.done @!p4 $0x0  }
0xaa: {  	[sflag:s2] =	ssyncadd.s32 @!p4 $0xFFFFFF80  }
0xab: {  	_ =	swait.ge @!p4 [sflag:s2], $0x80  }
0xac: {  	s30 =	simm.s32 @!p4 $0x80;
	s21 =	sshll.u32 @!p4 s21, $0x7;
	[sflag:s2] =	ssyncset.done @!p4 $0x0  }
0xad: {  	s29 =	simm.s32 @!p4 $0x400;
	s31 =	rddreg [dreg:$0x1b];
	[sflag:s2] =	ssyncadd.s32 @!p4 $0xFFFFFF80  }
0xae: {  	[tilespmem:s29], [sflag:$0x5] =	stream.indirect.gather @!p4 [hbm4b:s1+s30], $0x80, s21, s30, $0x2000b8;
	[tilespmem:$0x1CD00] =	vst v63  }
0xaf: {  	s21 =	sadd.s32 $0xFFFFFFFF, s31  }
0xb0: {  	s22 =	simm.s32 $0x3;
	p5 =	sle.u32 s13, $0x3;
	p4 =	sne.s32 s21, $0x0  }
.Ltmp4:
0xb1: {  	s22 =	sand.u32 @!p5 $0x3, s22;
	(pc) =	sbr.rel @!p4 .LBB2_9-.Ltmp4, $4  }
0xb2: {  	s28 =	sadd.s32 @!p5 $0x1, s22  }
0xb3: {  	_ =	swait.ge @!p5 [sflag:s28], $0x80  }
0xb4: {  	s2 =	smov.u32 s7;
	[sflag:s28] =	ssyncset.done @!p5 $0x0  }
0xb5: {  	s29 =	sshll.u32 @!p5 s22, $0x7;
	s22 =	sadd.s32 $0x20, s8;
	[sflag:s28] =	ssyncadd.s32 @!p5 $0xFFFFFF80  }
.LBB2_8:
0xb6: {  	_ =	swait.ge @!p5 [sflag:s28], $0x80  }
0xb7: {  	[sflag:s28] =	ssyncset.done @!p5 $0x0  }
0xb8: {  	s30 =	simm.s32 @!p5 $0x4400;
	s23 =	simm.s32 @!p5 $0x80;
	[sflag:s28] =	ssyncadd.s32 @!p5 $0xFFFFFF80  }
0xb9: {  	[tilespmem:s30], [sflag:$0x6] =	stream.indirect.gather @!p5 [hbm4b:s1+s23], $0x80, s29, s23, $0x2000b8;
	[tilespmem:$0x1CD00] =	vst v63  }
0xba: {  	s31 =	sand.u32 $0x2, s20;
	_ =	swait.ge [sflag:s12], $0x4000  }
0xbb: {  	s24 =	sshll.u32 s31, $0x7;
	[sflag:s12] =	ssyncset.done $0x0  }
0xbc: {  	s23 =	sor.u32 $0x200, s24;
	[sflag:s12] =	ssyncadd.s32 $0xFFFFC000  }
0xbd: {  	[spmem:s3] =	stream.indirect.scatter.add.f32 [tilespmem:s9], [sflag:$0x7], $0x80, s23, s0, $0x2000b8;
	[tilespmem:$0x1CD00] =	vst v63  }
0xbe: {  	s29 =	sadd.s32 $0x1, s20  }
0xbf: {  	[spmem:s4] =	stream.indirect.scatter.add.f32 [tilespmem:s14], [sflag:$0x9], $0x1, s23, s0, $0x2000b8;
	[tilespmem:$0x1CD00] =	vst v63  }
0xc0: {  	s29 =	sand.u32 $0x3, s29;
	_ =	swait.ge [sflag:s15], $0x4000  }
0xc1: {  	s30 =	sshll.u32 s29, $0x7;
	[sflag:s15] =	ssyncset.done $0x0  }
0xc2: {  	s7 =	sor.u32 $0x200, s30;
	[sflag:s15] =	ssyncadd.s32 $0xFFFFC000  }
0xc3: {  	[spmem:s3] =	stream.indirect.scatter.add.f32 [tilespmem:s11], [sflag:$0x8], $0x80, s7, s0, $0x2000b8;
	[tilespmem:$0x1CD00] =	vst v63  }
0xc4: {  	_ = 	snop  }
0xc5: {  	[spmem:s4] =	stream.indirect.scatter.add.f32 [tilespmem:s14], [sflag:$0xA], $0x1, s7, s0, $0x2000b8;
	[tilespmem:$0x1CD00] =	vst v63  }
0xc6: {  	_ =	swait.ge [sflag:s16], $0x4000  }
0xc7: {  	[sflag:s16] =	ssyncset.done $0x0  }
0xc8: {  	[sflag:s16] =	ssyncadd.s32 $0xFFFFC000  }
0xc9: {  	_ =	swait.ge [sflag:s17], $0x80  }
0xca: {  	[sflag:s17] =	ssyncset.done $0x0;
	s8 =	rddreg [dreg:$0x6]  }
0xcb: {  	s2 =	sadd.s32 $0x20, s2;
	[sflag:s17] =	ssyncadd.s32 $0xFFFFFF80;
	p5 =	sge.u32 s20, s8  }
0xcc: {  	s8 =	sadd.s32 @!p5 $0x1, s31;
	s31 =	sadd.s32 @!p5 s22, s26;
	s10 =	simm.s32 @!p5 $0x0  }
0xcd: {  	[tilespmem:s24], [sflag:s8] =	stream.linear.gather @!p5 [hbm4b:s31+s10], $0x80, $0x200038;
	[tilespmem:$0x1CD00] =	vst v63  }
0xce: {  	s24 =	sadd.s32 @!p5 s2, s26  }
0xcf: {  	[tilespmem:s23], [sflag:s8] =	stream.linear.gather @!p5 [hbm4b:s24+s10], $0x80, $0x200038;
	[tilespmem:$0x1CD00] =	vst v63  }
0xd0: {  	_ =	swait.ge [sflag:s18], $0x4000  }
0xd1: {  	[sflag:s18] =	ssyncset.done $0x0  }
0xd2: {  	[sflag:s18] =	ssyncadd.s32 $0xFFFFC000  }
0xd3: {  	s28 =	smov.u32 s20;
	s20 =	sadd.s32 $0x2, s20;
	_ =	swait.ge [sflag:s19], $0x80  }
0xd4: {  	p6 =	sge.u32 s20, s13;
	s31 =	rddreg [dreg:$0x7];
	[sflag:s19] =	ssyncset.done $0x0  }
0xd5: {  	s8 =	sand.u32 @!p6 $0x2, s20;
	[sflag:s19] =	ssyncadd.s32 $0xFFFFFF80;
	p5 =	sge.u32 s28, s31  }
0xd6: {  	s10 =	sadd.s32 @!p5 $0x1, s29;
	s23 =	sadd.s32 @!p5 s22, s25;
	s24 =	simm.s32 @!p5 $0x0  }
0xd7: {  	[tilespmem:s30], [sflag:s10] =	stream.linear.gather @!p5 [hbm4b:s23+s24], $0x80, $0x200038;
	[tilespmem:$0x1CD00] =	vst v63  }
0xd8: {  	s29 =	sor.u32 @!p6 $0x1, s8;
	s23 =	sadd.s32 @!p5 s2, s25  }
0xd9: {  	[tilespmem:s7], [sflag:s10] =	stream.linear.gather @!p5 [hbm4b:s23+s24], $0x80, $0x200038;
	[tilespmem:$0x1CD00] =	vst v63  }
0xda: {  	s21 =	sadd.s32 $0xFFFFFFFF, s21;
	_ =	swait.ge @!p6 [sflag:s29], $0x80  }
0xdb: {  	p4 =	sne.s32 s21, $0x0;
	[sflag:s29] =	ssyncset.done @!p6 $0x0  }
0xdc: {  	s8 =	sshll.u32 @!p6 s8, $0x7;
	s7 =	sadd.s32 $0x3, s28;
	[sflag:s29] =	ssyncadd.s32 @!p6 $0xFFFFFF80  }
0xdd: {  	s10 =	simm.s32 @!p6 $0x400;
	p5 =	sge.u32 s7, s13;
	_ =	swait.ge @!p6 [sflag:s29], $0x80  }
0xde: {  	s23 =	simm.s32 @!p6 $0x80;
	s7 =	sand.u32 @!p5 $0x3, s7;
	[sflag:s29] =	ssyncset.done @!p6 $0x0  }
.Ltmp5:
0xdf: {  	s28 =	sadd.s32 @!p5 $0x1, s7;
	[sflag:s29] =	ssyncadd.s32 @!p6 $0xFFFFFF80;
	(pc) =	sbr.rel @p4 .LBB2_8-.Ltmp5, $4  }
0xe0: {  	[tilespmem:s10], [sflag:$0x5] =	stream.indirect.gather @!p6 [hbm4b:s1+s23], $0x80, s8, s23, $0x2000b8;
	[tilespmem:$0x1CD00] =	vst v63  }
0xe1: {  	_ =	swait.ge @!p5 [sflag:s28], $0x80  }
0xe2: {  	[sflag:s28] =	ssyncset.done @!p5 $0x0  }
0xe3: {  	s22 =	sadd.s32 $0x20, s22;
	s29 =	sshll.u32 @!p5 s7, $0x7;
	[sflag:s28] =	ssyncadd.s32 @!p5 $0xFFFFFF80  }
.LBB2_9:
0xe4: {  	_ =	swait.ge @!p5 [sflag:s28], $0x80  }
0xe5: {  	[sflag:s28] =	ssyncset.done @!p5 $0x0  }
0xe6: {  	s2 =	simm.s32 @!p5 $0x4400;
	s7 =	simm.s32 @!p5 $0x80;
	[sflag:s28] =	ssyncadd.s32 @!p5 $0xFFFFFF80  }
0xe7: {  	[tilespmem:s2], [sflag:$0x6] =	stream.indirect.gather @!p5 [hbm4b:s1+s7], $0x80, s29, s7, $0x2000b8;
	[tilespmem:$0x1CD00] =	vst v63  }
0xe8: {  	_ =	strace $0x9000004A  }
0xe9: {  	_ =	strace $0x8000004B  }
0xea: {  	[bflag:$0x0] =	sbarrier.arrive $0xFFFF  }
0xeb: {  	_ =	strace $0x9000004B  }
0xec: {  	_ =	strace $0x8000004C  }
0xed: {  	s2 =	sshll.u32 @p0 s6, $0x6;
	s7 =	rddreg [dreg:$0xe]  }
0xee: {  	s2 =	sor.u32 @p0 $0x1C0B, s2;
	s8 =	rddreg [dreg:$0x19]  }
0xef: {  	[hbm:s7], [sflag:s2] =	dma.local @p0 [spmem:s8], $0x2700  }
0xf0: {  	s2 =	simm.s32 @p0 $0xB  }
0xf1: {  	_ =	swait.ge @p0 [sflag:s2], $0x2700  }
0xf2: {  	[sflag:s2] =	ssyncset.done @p0 $0x0  }
0xf3: {  	s7 =	rddreg [dreg:$0x1c];
	[sflag:s2] =	ssyncadd.s32 @p0 $0xFFFFD900;
	s2 =	simm.s32 @!p2 $0x8C00  }
0xf4: {  	[tilespmem:s2], [sflag:$0xB] =	stream.linear.gather @!p2 [spmem:s7], $0x410, $0x200038;
	[tilespmem:$0x1CD00] =	vst v63  }
0xf5: {  	s7 =	simm.s32 @!p2 $0xB  }
0xf6: {  	_ =	swait.ge @!p2 [sflag:s7], $0x410  }
0xf7: {  	[sflag:s7] =	ssyncset.done @!p2 $0x0  }
0xf8: {  	s8 =	simm.s32 @!p2 $0x0;
	s10 =	rddreg [dreg:$0x14];
	[sflag:s7] =	ssyncadd.s32 @!p2 $0xFFFFFBF0  }
0xf9: {  	[hbm4b:s10+s8] =	stream.linear.scatter @!p2 [tilespmem:s2], [sflag:$0xB], $0x410, $0x200038;
	[tilespmem:$0x1CD00] =	vst v63  }
0xfa: {  	_ =	swait.ge @!p2 [sflag:s7], $0x410  }
0xfb: {  	[sflag:s7] =	ssyncset.done @!p2 $0x0  }
0xfc: {  	s2 =	simm.s32 @!p3 $0x8C00;
	[sflag:s7] =	ssyncadd.s32 @!p2 $0xFFFFFBF0;
	s7 =	rddreg [dreg:$0x15]  }
0xfd: {  	[tilespmem:s2], [sflag:$0xB] =	stream.linear.gather @!p3 [spmem:s7], $0x500, $0x200038;
	[tilespmem:$0x1CD00] =	vst v63  }
0xfe: {  	s7 =	simm.s32 @!p3 $0xB  }
0xff: {  	_ =	swait.ge @!p3 [sflag:s7], $0x500  }
0x100: {  	[sflag:s7] =	ssyncset.done @!p3 $0x0  }
0x101: {  	s8 =	simm.s32 @!p3 $0x0;
	s10 =	rddreg [dreg:$0xf];
	[sflag:s7] =	ssyncadd.s32 @!p3 $0xFFFFFB00  }
0x102: {  	[hbm4b:s10+s8] =	stream.linear.scatter @!p3 [tilespmem:s2], [sflag:$0xB], $0x500, $0x200038;
	[tilespmem:$0x1CD00] =	vst v63  }
0x103: {  	_ =	swait.ge @!p3 [sflag:s7], $0x500  }
0x104: {  	[sflag:s7] =	ssyncset.done @!p3 $0x0;
	s8 =	rddreg [dreg:$0x1a]  }
0x105: {  	s2 =	simm.s32 @!p0 $0x1FCB;
	[sflag:s7] =	ssyncadd.s32 @!p3 $0xFFFFFB00;
	s7 =	rddreg [dreg:$0x16]  }
0x106: {  	[hbm:s7], [sflag:s2] =	dma.local @!p0 [spmem:s8], $0x2800  }
0x107: {  	s2 =	simm.s32 @!p0 $0xB  }
0x108: {  	_ =	swait.ge @!p0 [sflag:s2], $0x2800  }
0x109: {  	s5 =	sadd.s32 $0x1, s5;
	s31 =	rddreg [dreg:$0x17]  }
0x10a: {  	p4 =	sne.s32 s5, s31  }
.Ltmp6:
0x10b: {  	_ = 	snop;
	(pc) =	sbr.rel @p4 .LBB2_1-.Ltmp6, $4  }
0x10c: {  	_ = 	snop  }
0x10d: {  	[sflag:s2] =	ssyncset.done @!p0 $0x0  }
0x10e: {  	[sflag:s2] =	ssyncadd.s32 @!p0 $0xFFFFD800  }
0x10f: {  	_ =	strace $0x9000004C  }
0x110: {  	_ =	sfence.sel $0x180000  }
0x111: {  	[bflag:$0x0] =	sbarrier.arrive $0xFFFF  }
0x112: {  	_ =	strace $0x90000047  }
0x113: {  	[bflag:$0x2] =	sbarrier.arrive $0xFFFF  }
0x114: {  	p0 =	sne.s32 s6, $0x0;
	s0 =	rddreg [dreg:$0x5]  }
0x115: {  	s0 =	sadd.s32 @!p0 $0x100000, s0  }
0x116: {  	[sflag:s0] =	ssyncadd.tile.s32 @!p0 $0x1;
	_ =	shalt  }
.Lfunc_end2:
_tile_overlayer_lowered:
.L_overlay_start_2:
0x117: {  	(tag) =	ssettag $0x2  }
0x118: {  	s0 =	rddreg [dreg:$0x0];
	s2 =	stileid.u32  }
0x119: {  	s1 =	rddreg [dreg:$0x1];
	p0 =	sne.s32 s2, $0x0  }
0x11a: {  	s3 =	rddreg [dreg:$0x2];
	[bflag:$0x3] =	sbarrier.arrive $0xFFFF;
	s2 =	simm.s32 @!p0 $0x1C0B  }
0x11b: {  	[timem:s3], [sflag:s2] =	dma.local @!p0 [hbm:s0], s1  }
0x11c: {  	s0 =	simm.s32 @!p0 $0xB  }
0x11d: {  	_ =	swait.ge @!p0 [sflag:s0], s1  }
0x11e: {  	s1 =	ssub.s32 @!p0 $0x0, s1;
	[sflag:s0] =	ssyncset.done @!p0 $0x0  }
0x11f: {  	[sflag:s0] =	ssyncadd.s32 @!p0 s1  }
0x120: {  	[bflag:$0x3] =	sbarrier.arrive $0xFFFF  }
0x121: {  	_ =	shalt  }

</sc_bundles>
